<compile_context>
chip_gen: v7x
topology: tpu7x:2x2x1
jax: 0.10.2.dev20260603
libtpu: 0.0.44.dev20260713+nightly
codegen_flags: <defaults>
</compile_context>

<pallas_src>
import functools

import numpy as np
import jax
import jax.numpy as jnp
from jax import lax
from jax.experimental import pallas as pl
from jax.experimental.pallas import tpu as pltpu, tpu_sc as plsc

B, C, D, GH, GW = 4, 12, 8, 16, 16
H = W = 512
NC, NS, L = 2, 16, 16
NW = NC * NS
ROWS_PER_W = (B * H) // NW
PV = W // L

_wgf = (np.arange(W, dtype=np.float32) / np.float32(W - 1)) * np.float32(2.0) - np.float32(1.0)
_ix = np.clip((_wgf + np.float32(1.0)) * np.float32(0.5) * np.float32(GW - 1),
              0.0, np.float32(GW - 1)).astype(np.float32)
_x0 = np.minimum(np.floor(_ix).astype(np.int32), GW - 2)
_TX = _ix - _x0.astype(np.float32)
_XB = (_x0 * D).astype(np.int32)


def _body(gt_hbm, fm_hbm, tx_hbm, xb_hbm, out_hbm,
          graw, gridv, fmv, txv, xbv, lv, obuf, osem):
    wid = lax.axis_index("s") * NC + lax.axis_index("c")
    row0 = wid * ROWS_PER_W
    b = row0 // H
    h0 = row0 % H

    pltpu.sync_copy(tx_hbm, txv)
    pltpu.sync_copy(xb_hbm, xbv)
    pltpu.sync_copy(gt_hbm.at[b], graw)
    pltpu.sync_copy(fm_hbm.at[pl.ds(row0, ROWS_PER_W)], fmv)

    lane = lax.iota(jnp.int32, L)
    lx = lax.shift_right_logical(lane, 3)
    ld = lane & 7
    sva = lx + ld * (GH * GW)
    svb = lx + jnp.minimum(ld + 1, D - 1) * (GH * GW)

    @plsc.parallel_loop(0, C * GH * (GW // 2), unroll=8)
    def packgrid(g):
        c = lax.shift_right_logical(g, 7)
        rem = g & 127
        y = lax.shift_right_logical(rem, 3)
        base = c * (D * GH * GW) + y * GW + (rem & 7) * 2
        va = plsc.load_gather(graw, [base + sva])
        vb = plsc.load_gather(graw, [base + svb])
        pk = plsc.pack(va, vb, format=plsc.PackFormat.INTERLEAVED)
        gridv[pl.ds(g * L, L)] = plsc.bitcast(pk, jnp.int32)

    def row_body(r, carry):
        h = h0 + r
        buf = lax.rem(r, 2)
        @pl.when(r >= 2)
        def _():
            pltpu.make_async_copy(obuf.at[buf], out_hbm.at[b, :, h, :], osem).wait()
        hgf = h.astype(jnp.float32) * np.float32(1.0 / (H - 1)) * np.float32(2.0) - np.float32(1.0)
        iy = jnp.clip((hgf + np.float32(1.0)) * np.float32(0.5) * np.float32(GH - 1),
                      np.float32(0.0), np.float32(GH - 1))
        iyv = jnp.full((L,), iy, dtype=jnp.float32)
        y0v = jnp.minimum(iyv.astype(jnp.int32), GH - 2)
        wy1 = iyv - y0v.astype(jnp.float32)
        wy0 = jnp.full((L,), 1.0, dtype=jnp.float32) - wy1
        y0 = jnp.max(y0v)
        ybase = y0 * (GW * D)

        pwy0 = plsc.pack(wy0, wy0, format=plsc.PackFormat.INTERLEAVED)
        pwy1 = plsc.pack(wy1, wy1, format=plsc.PackFormat.INTERLEAVED)

        @plsc.parallel_loop(0, C * (GW * D // L), unroll=8)
        def build(g):
            off = ybase + g * L + lax.shift_right_logical(g, 3) * (GH * GW * D - GW * D)
            gp0 = plsc.bitcast(gridv[pl.ds(off, L)], jnp.bfloat16)
            gp1 = plsc.bitcast(gridv[pl.ds(off + GW * D, L)], jnp.bfloat16)
            t = pwy0 * gp0 + pwy1 * gp1
            lv[pl.ds(g * L, L)] = plsc.bitcast(t, jnp.int32)

        @plsc.parallel_loop(0, PV, unroll=8)
        def pv_body(p):
            s = p * L
            fme = fmv[r, pl.ds(s, L)]
            txe = txv[pl.ds(s, L)]
            xbe = xbv[pl.ds(s, L)]
            iz = jnp.clip((fme + np.float32(1.0)) * np.float32(0.5 * (D - 1)),
                          np.float32(0.0), np.float32(D - 1))
            z0 = jnp.minimum(iz.astype(jnp.int32), D - 2)
            tz = iz - z0.astype(jnp.float32)
            i00 = xbe + z0
            i10 = i00 + D
            one = jnp.full((L,), 1.0, dtype=jnp.float32)
            uz = one - tz
            ux = one - txe
            w00 = ux * uz
            w01 = ux * tz
            w10 = txe * uz
            w11 = txe * tz
            pw0 = plsc.pack(w00, w01, format=plsc.PackFormat.INTERLEAVED)
            pw1 = plsc.pack(w10, w11, format=plsc.PackFormat.INTERLEAVED)
            for c in range(C):
                lc = lv.at[pl.ds(c * (GW * D), GW * D)]
                p0 = plsc.load_gather(lc, [i00])
                p1 = plsc.load_gather(lc, [i10])
                t = (pw0 * plsc.bitcast(p0, jnp.bfloat16)
                     + pw1 * plsc.bitcast(p1, jnp.bfloat16))
                ta, tb = plsc.unpack(t, format=plsc.PackFormat.INTERLEAVED,
                                     preferred_element_type=jnp.float32)
                obuf[buf, c, pl.ds(s, L)] = ta + tb
        pltpu.make_async_copy(obuf.at[buf], out_hbm.at[b, :, h, :], osem).start()
        return carry

    lax.fori_loop(0, ROWS_PER_W, row_body, 0)
    for tail in (ROWS_PER_W - 2, ROWS_PER_W - 1):
        pltpu.make_async_copy(
            obuf.at[tail % 2], out_hbm.at[b, :, h0 + tail, :], osem).wait()


@jax.jit
def _slice_sc(gt, fm2, tx, xb):
    mesh = plsc.VectorSubcoreMesh(core_axis_name="c", subcore_axis_name="s")
    f = functools.partial(
        pl.kernel,
        out_type=jax.ShapeDtypeStruct((B, C, H, W), jnp.float32),
        mesh=mesh,
        compiler_params=pltpu.CompilerParams(needs_layout_passes=False),
        scratch_types=[
            pltpu.VMEM((C * D * GH * GW,), jnp.float32),
            pltpu.VMEM((C * GH * GW * D,), jnp.int32),
            pltpu.VMEM((ROWS_PER_W, W), jnp.float32),
            pltpu.VMEM((W,), jnp.float32),
            pltpu.VMEM((W,), jnp.int32),
            pltpu.VMEM((C * GW * D,), jnp.int32),
            pltpu.VMEM((2, C, W), jnp.float32),
            pltpu.SemaphoreType.DMA,
        ],
    )(_body)
    return f(gt, fm2, tx, xb)


def kernel(bilateral_grid, feature_map):
    graw = bilateral_grid.reshape(B, C * D * GH * GW)
    fm2 = feature_map.reshape(B * H, W)
    return _slice_sc(graw, fm2, jnp.asarray(_TX), jnp.asarray(_XB))

# --- scband reference (transcript-rebuilt; emitter-appended) ---
"""Pipeline reference for scband-slice-35794257445552 (READ-ONLY COPY).

The authoritative reference and input builder live on the scoring server;
editing this copy changes nothing except your own understanding.
"""

import jax, jax.numpy as jnp
import numpy as np


def setup_inputs(seed: int = 0) -> dict:
    key = jax.random.key(seed)
    k1, k2 = jax.random.split(key)
    bilateral_grid = jax.random.normal(k1, (4, 12, 8, 16, 16), dtype=jnp.float32)
    feature_map = jax.random.uniform(k2, (4, 1, 512, 512), dtype=jnp.float32)
    return {"bilateral_grid": bilateral_grid, "feature_map": feature_map}


def _grid_sample_3d(inp, grid):
    # inp: [N, C, D, H, W]; grid: [N, Do, Ho, Wo, 3] with last dim (x, y, z)
    # padding_mode='border', align_corners=True, trilinear interpolation
    N, C, D, H, W = inp.shape
    ix = jnp.clip((grid[..., 0] + 1.0) * 0.5 * (W - 1), 0.0, float(W - 1))
    iy = jnp.clip((grid[..., 1] + 1.0) * 0.5 * (H - 1), 0.0, float(H - 1))
    iz = jnp.clip((grid[..., 2] + 1.0) * 0.5 * (D - 1), 0.0, float(D - 1))
    x0f = jnp.floor(ix)
    y0f = jnp.floor(iy)
    z0f = jnp.floor(iz)
    tx = ix - x0f
    ty = iy - y0f
    tz = iz - z0f
    x0 = x0f.astype(jnp.int32)
    y0 = y0f.astype(jnp.int32)
    z0 = z0f.astype(jnp.int32)
    x1 = jnp.minimum(x0 + 1, W - 1)
    y1 = jnp.minimum(y0 + 1, H - 1)
    z1 = jnp.minimum(z0 + 1, D - 1)
    sp = ix.shape[1:]
    inp_flat = inp.reshape(N, C, D * H * W)

    def gather(zi, yi, xi):
        idx = ((zi * H + yi) * W + xi).reshape(N, 1, -1)
        return jnp.take_along_axis(inp_flat, idx, axis=2).reshape((N, C) + sp)

    def wexp(w):
        return w[:, None]

    out = (gather(z0, y0, x0) * wexp((1 - tz) * (1 - ty) * (1 - tx))
         + gather(z0, y0, x1) * wexp((1 - tz) * (1 - ty) * tx)
         + gather(z0, y1, x0) * wexp((1 - tz) * ty * (1 - tx))
         + gather(z0, y1, x1) * wexp((1 - tz) * ty * tx)
         + gather(z1, y0, x0) * wexp(tz * (1 - ty) * (1 - tx))
         + gather(z1, y0, x1) * wexp(tz * (1 - ty) * tx)
         + gather(z1, y1, x0) * wexp(tz * ty * (1 - tx))
         + gather(z1, y1, x1) * wexp(tz * ty * tx))
    return out


def reference(bilateral_grid, feature_map):
    batch_size, _, h, w = feature_map.shape
    hg, wg = jnp.meshgrid(jnp.arange(h), jnp.arange(w), indexing='ij')
    hg = hg.astype(jnp.float32) / (h - 1) * 2.0 - 1.0
    wg = wg.astype(jnp.float32) / (w - 1) * 2.0 - 1.0
    hg = jnp.broadcast_to(hg[None, :, :, None], (batch_size, h, w, 1))
    wg = jnp.broadcast_to(wg[None, :, :, None], (batch_size, h, w, 1))
    fm = jnp.transpose(feature_map, (0, 2, 3, 1))
    feature = jnp.concatenate([wg, hg, fm], axis=3)[:, None]  # [B, 1, h, w, 3]
    coefficient = _grid_sample_3d(bilateral_grid, feature)  # [B, C, 1, h, w]
    return jnp.squeeze(coefficient, axis=2)

if __name__ == "__main__":
    import jax
    _d = setup_inputs()
    print(jax.jit(kernel)(*tuple(_d.values())))

</pallas_src>

<mosaic_0001>
#map = affine_map<(d0, d1) -> (0, 0)>
#map1 = affine_map<(d0, d1) -> (0)>
#map2 = affine_map<(d0, d1) -> (0, 0, 0, 0)>
module attributes {stable_mosaic.version = 14 : i64} {
  func.func @_body(%arg0: i32, %arg1: i32, %arg2: memref<4x24576xf32, #tpu.memory_space<hbm>>, %arg3: memref<2048x512xf32, #tpu.memory_space<hbm>>, %arg4: memref<512xf32, #tpu.memory_space<hbm>>, %arg5: memref<512xi32, #tpu.memory_space<hbm>>, %arg6: memref<4x12x512x512xf32, #tpu.memory_space<hbm>>, %arg7: memref<24576xf32, #tpu.memory_space<vmem>>, %arg8: memref<24576xi32, #tpu.memory_space<vmem>>, %arg9: memref<64x512xf32, #tpu.memory_space<vmem>>, %arg10: memref<512xf32, #tpu.memory_space<vmem>>, %arg11: memref<512xi32, #tpu.memory_space<vmem>>, %arg12: memref<1536xi32, #tpu.memory_space<vmem>>, %arg13: memref<2x12x512xf32, #tpu.memory_space<vmem>>, %arg14: memref<!tpu.dma_semaphore, #tpu.memory_space<semaphore_mem>>) attributes {dimension_semantics = [#tpu.dimension_semantics<core_parallel>, #tpu.dimension_semantics<subcore_parallel>], iteration_bounds = array<i64: 2, 16>, scalar_prefetch = 0 : i64, scratch_operands = 8 : i64, tpu.core_type = #tpu.core_type<sc_vector_subcore>, window_params = [{transform_indices = #map}, {transform_indices = #map}, {transform_indices = #map1}, {transform_indices = #map1}, {transform_indices = #map2}]} {
    %mul3A = arith.constant 2 : i32
    %mul3A_0 = arith.muli %arg1, %mul3A : i32
    %add3A = arith.addi %mul3A_0, %arg0 : i32
    %mul3A_1 = arith.constant 64 : i32
    %mul3A_2 = arith.muli %add3A, %mul3A_1 : i32
    %jit3A = arith.constant 512 : i32
    %div3A = arith.divsi %mul3A_2, %jit3A : i32
    %sign3A = arith.constant 0 : i32
    %sign3A_3 = arith.cmpi sgt, %mul3A_2, %sign3A : i32
    %sign3A_4 = arith.extui %sign3A_3 : i1 to i32
    %sign3A_5 = arith.constant 0 : i32
    %sign3A_6 = arith.cmpi slt, %mul3A_2, %sign3A_5 : i32
    %sign3A_7 = arith.extui %sign3A_6 : i1 to i32
    %sign3A_8 = arith.subi %sign3A_4, %sign3A_7 : i32
    %sign3A_9 = arith.constant 0 : i32
    %sign3A_10 = arith.cmpi sgt, %jit3A, %sign3A_9 : i32
    %sign3A_11 = arith.extui %sign3A_10 : i1 to i32
    %sign3A_12 = arith.constant 0 : i32
    %sign3A_13 = arith.cmpi slt, %jit3A, %sign3A_12 : i32
    %sign3A_14 = arith.extui %sign3A_13 : i1 to i32
    %sign3A_15 = arith.subi %sign3A_11, %sign3A_14 : i32
    %ne3A = arith.cmpi ne, %sign3A_8, %sign3A_15 : i32
    %rem3A = arith.remsi %mul3A_2, %jit3A : i32
    %ne3A_16 = arith.constant 0 : i32
    %ne3A_17 = arith.cmpi ne, %rem3A, %ne3A_16 : i32
    %and3A = arith.andi %ne3A, %ne3A_17 : i1
    %sub3A = arith.constant 1 : i32
    %sub3A_18 = arith.subi %div3A, %sub3A : i32
    %select_n3A = arith.select %and3A, %sub3A_18, %div3A : i32
    %jit3A_19 = arith.constant 512 : i32
    %eq3A = arith.constant 0 : i32
    %eq3A_20 = arith.cmpi eq, %jit3A_19, %eq3A : i32
    %jit3A_21 = arith.constant 1 : i32
    %select_n3A_22 = arith.select %eq3A_20, %jit3A_21, %jit3A_19 : i32
    %rem3A_23 = arith.remsi %mul3A_2, %select_n3A_22 : i32
    %ne3A_24 = arith.constant 0 : i32
    %ne3A_25 = arith.cmpi ne, %rem3A_23, %ne3A_24 : i32
    %lt3A = arith.constant 0 : i32
    %lt3A_26 = arith.cmpi slt, %rem3A_23, %lt3A : i32
    %lt3A_27 = arith.constant 0 : i32
    %lt3A_28 = arith.cmpi slt, %select_n3A_22, %lt3A_27 : i32
    %ne3A_29 = arith.xori %lt3A_26, %lt3A_28 : i1
    %and3A_30 = arith.andi %ne3A_29, %ne3A_25 : i1
    %add3A_31 = arith.addi %rem3A_23, %select_n3A_22 : i32
    %select_n3A_32 = arith.select %and3A_30, %add3A_31, %rem3A_23 : i32
    "tpu.region"() ({
      %run_scoped3A = tpu.sem_alloc : memref<!tpu.dma_semaphore, #tpu.memory_space<semaphore_mem>>
      tpu.enqueue_dma source(%arg4 : memref<512xf32, #tpu.memory_space<hbm>>) target(%arg10 : memref<512xf32, #tpu.memory_space<vmem>>) target_semaphore(%run_scoped3A : memref<!tpu.dma_semaphore, #tpu.memory_space<semaphore_mem>>)
      tpu.wait_dma2 semaphore(%run_scoped3A : memref<!tpu.dma_semaphore, #tpu.memory_space<semaphore_mem>>) src(%arg4 : memref<512xf32, #tpu.memory_space<hbm>>) dst(%arg10 : memref<512xf32, #tpu.memory_space<vmem>>)
      tpu.yield
    }) : () -> ()
    "tpu.region"() ({
      %run_scoped3A = tpu.sem_alloc : memref<!tpu.dma_semaphore, #tpu.memory_space<semaphore_mem>>
      tpu.enqueue_dma source(%arg5 : memref<512xi32, #tpu.memory_space<hbm>>) target(%arg11 : memref<512xi32, #tpu.memory_space<vmem>>) target_semaphore(%run_scoped3A : memref<!tpu.dma_semaphore, #tpu.memory_space<semaphore_mem>>)
      tpu.wait_dma2 semaphore(%run_scoped3A : memref<!tpu.dma_semaphore, #tpu.memory_space<semaphore_mem>>) src(%arg5 : memref<512xi32, #tpu.memory_space<hbm>>) dst(%arg11 : memref<512xi32, #tpu.memory_space<vmem>>)
      tpu.yield
    }) : () -> ()
    "tpu.region"() ({
      %run_scoped3A = tpu.sem_alloc : memref<!tpu.dma_semaphore, #tpu.memory_space<semaphore_mem>>
      %dma_start3A = arith.constant 0 : i32
      %dma_start3A_95 = tpu.memref_slice %arg2[%select_n3A, %dma_start3A] : memref<4x24576xf32, #tpu.memory_space<hbm>> -> memref<1x24576xf32, #tpu.memory_space<hbm>>
      %dma_start3A_96 = tpu.memref_squeeze %dma_start3A_95 : memref<1x24576xf32, #tpu.memory_space<hbm>> -> memref<24576xf32, #tpu.memory_space<hbm>>
      %dma_start3A_97 = arith.constant 0 : i32
      %dma_start3A_98 = tpu.memref_slice %arg2[%select_n3A, %dma_start3A_97] : memref<4x24576xf32, #tpu.memory_space<hbm>> -> memref<1x24576xf32, #tpu.memory_space<hbm>>
      %dma_start3A_99 = tpu.memref_squeeze %dma_start3A_98 : memref<1x24576xf32, #tpu.memory_space<hbm>> -> memref<24576xf32, #tpu.memory_space<hbm>>
      tpu.enqueue_dma source(%dma_start3A_99 : memref<24576xf32, #tpu.memory_space<hbm>>) target(%arg7 : memref<24576xf32, #tpu.memory_space<vmem>>) target_semaphore(%run_scoped3A : memref<!tpu.dma_semaphore, #tpu.memory_space<semaphore_mem>>)
      %dma_wait3A_100 = arith.constant 0 : i32
      %dma_wait3A_101 = tpu.memref_slice %arg2[%select_n3A, %dma_wait3A_100] : memref<4x24576xf32, #tpu.memory_space<hbm>> -> memref<1x24576xf32, #tpu.memory_space<hbm>>
      %dma_wait3A_102 = tpu.memref_squeeze %dma_wait3A_101 : memref<1x24576xf32, #tpu.memory_space<hbm>> -> memref<24576xf32, #tpu.memory_space<hbm>>
      %dma_wait3A_103 = arith.constant 0 : i32
      %dma_wait3A_104 = tpu.memref_slice %arg2[%select_n3A, %dma_wait3A_103] : memref<4x24576xf32, #tpu.memory_space<hbm>> -> memref<1x24576xf32, #tpu.memory_space<hbm>>
      %dma_wait3A_105 = tpu.memref_squeeze %dma_wait3A_104 : memref<1x24576xf32, #tpu.memory_space<hbm>> -> memref<24576xf32, #tpu.memory_space<hbm>>
      tpu.wait_dma2 semaphore(%run_scoped3A : memref<!tpu.dma_semaphore, #tpu.memory_space<semaphore_mem>>) src(%dma_wait3A_105 : memref<24576xf32, #tpu.memory_space<hbm>>) dst(%arg7 : memref<24576xf32, #tpu.memory_space<vmem>>)
      tpu.yield
    }) : () -> ()
    "tpu.region"() ({
      %run_scoped3A = tpu.sem_alloc : memref<!tpu.dma_semaphore, #tpu.memory_space<semaphore_mem>>
      %dma_start3A = arith.constant 0 : i32
      %dma_start3A_95 = tpu.memref_slice %arg3[%mul3A_2, %dma_start3A] : memref<2048x512xf32, #tpu.memory_space<hbm>> -> memref<64x512xf32, #tpu.memory_space<hbm>>
      %dma_start3A_96 = arith.constant 0 : i32
      %dma_start3A_97 = tpu.memref_slice %arg3[%mul3A_2, %dma_start3A_96] : memref<2048x512xf32, #tpu.memory_space<hbm>> -> memref<64x512xf32, #tpu.memory_space<hbm>>
      tpu.enqueue_dma source(%dma_start3A_97 : memref<64x512xf32, #tpu.memory_space<hbm>>) target(%arg9 : memref<64x512xf32, #tpu.memory_space<vmem>>) target_semaphore(%run_scoped3A : memref<!tpu.dma_semaphore, #tpu.memory_space<semaphore_mem>>)
      %dma_wait3A_98 = arith.constant 0 : i32
      %dma_wait3A_99 = tpu.memref_slice %arg3[%mul3A_2, %dma_wait3A_98] : memref<2048x512xf32, #tpu.memory_space<hbm>> -> memref<64x512xf32, #tpu.memory_space<hbm>>
      %dma_wait3A_100 = arith.constant 0 : i32
      %dma_wait3A_101 = tpu.memref_slice %arg3[%mul3A_2, %dma_wait3A_100] : memref<2048x512xf32, #tpu.memory_space<hbm>> -> memref<64x512xf32, #tpu.memory_space<hbm>>
      tpu.wait_dma2 semaphore(%run_scoped3A : memref<!tpu.dma_semaphore, #tpu.memory_space<semaphore_mem>>) src(%dma_wait3A_101 : memref<64x512xf32, #tpu.memory_space<hbm>>) dst(%arg9 : memref<64x512xf32, #tpu.memory_space<vmem>>)
      tpu.yield
    }) : () -> ()
    %iota3A = tpu.iota {dimensions = array<i32: 0>} : vector<16xi32>
    %shift_right_logical3A = arith.constant 3 : i32
    %shift_right_logical3A_33 = vector.broadcast %shift_right_logical3A : i32 to vector<16xi32>
    %shift_right_logical3A_34 = arith.shrui %iota3A, %shift_right_logical3A_33 : vector<16xi32>
    %and3A_35 = arith.constant 7 : i32
    %and3A_36 = vector.broadcast %and3A_35 : i32 to vector<16xi32>
    %and3A_37 = arith.andi %iota3A, %and3A_36 : vector<16xi32>
    %mul3A_38 = arith.constant 256 : i32
    %mul3A_39 = vector.broadcast %mul3A_38 : i32 to vector<16xi32>
    %mul3A_40 = arith.muli %and3A_37, %mul3A_39 : vector<16xi32>
    %add3A_41 = arith.addi %shift_right_logical3A_34, %mul3A_40 : vector<16xi32>
    %add3A_42 = arith.constant 1 : i32
    %add3A_43 = vector.broadcast %add3A_42 : i32 to vector<16xi32>
    %add3A_44 = arith.addi %and3A_37, %add3A_43 : vector<16xi32>
    %min3A = arith.constant 7 : i32
    %min3A_45 = vector.broadcast %min3A : i32 to vector<16xi32>
    %min3A_46 = arith.minsi %add3A_44, %min3A_45 : vector<16xi32>
    %mul3A_47 = arith.constant 256 : i32
    %mul3A_48 = vector.broadcast %mul3A_47 : i32 to vector<16xi32>
    %mul3A_49 = arith.muli %min3A_46, %mul3A_48 : vector<16xi32>
    %add3A_50 = arith.addi %shift_right_logical3A_34, %mul3A_49 : vector<16xi32>
    %parallel_loop3A = arith.constant 0 : i32
    %parallel_loop3A_51 = arith.constant 1536 : i32
    %parallel_loop3A_52 = arith.constant 1 : i32
    scf.for %parallel_loop3A_95 = %parallel_loop3A to %parallel_loop3A_51 step %parallel_loop3A_52  : i32 {
      %parallel_loop3A_96 = arith.constant 7 : i32
      %parallel_loop3A_97 = arith.shrui %parallel_loop3A_95, %parallel_loop3A_96 : i32
      %parallel_loop3A_98 = arith.constant 127 : i32
      %parallel_loop3A_99 = arith.andi %parallel_loop3A_95, %parallel_loop3A_98 : i32
      %parallel_loop3A_100 = arith.constant 3 : i32
      %parallel_loop3A_101 = arith.shrui %parallel_loop3A_99, %parallel_loop3A_100 : i32
      %parallel_loop3A_102 = arith.constant 2048 : i32
      %parallel_loop3A_103 = arith.muli %parallel_loop3A_97, %parallel_loop3A_102 : i32
      %parallel_loop3A_104 = arith.constant 16 : i32
      %parallel_loop3A_105 = arith.muli %parallel_loop3A_101, %parallel_loop3A_104 : i32
      %parallel_loop3A_106 = arith.addi %parallel_loop3A_103, %parallel_loop3A_105 : i32
      %parallel_loop3A_107 = arith.constant 7 : i32
      %parallel_loop3A_108 = arith.andi %parallel_loop3A_99, %parallel_loop3A_107 : i32
      %parallel_loop3A_109 = arith.constant 2 : i32
      %parallel_loop3A_110 = arith.muli %parallel_loop3A_108, %parallel_loop3A_109 : i32
      %parallel_loop3A_111 = arith.addi %parallel_loop3A_106, %parallel_loop3A_110 : i32
      %parallel_loop3A_112 = vector.broadcast %parallel_loop3A_111 : i32 to vector<16xi32>
      %parallel_loop3A_113 = arith.addi %parallel_loop3A_112, %add3A_41 : vector<16xi32>
      %parallel_loop3A_114 = tpu.vector_load_idx %arg7[%parallel_loop3A_113] : memref<24576xf32, #tpu.memory_space<vmem>>[vector<16xi32>], vector<16xf32>,
      %parallel_loop3A_115 = vector.broadcast %parallel_loop3A_111 : i32 to vector<16xi32>
      %parallel_loop3A_116 = arith.addi %parallel_loop3A_115, %add3A_50 : vector<16xi32>
      %parallel_loop3A_117 = tpu.vector_load_idx %arg7[%parallel_loop3A_116] : memref<24576xf32, #tpu.memory_space<vmem>>[vector<16xi32>], vector<16xf32>,
      %parallel_loop3A_118 = tpu.pack_subelements %parallel_loop3A_114, %parallel_loop3A_117 {pack_format = #tpu.pack_format<interleaved>, positions = array<i32: 0, 1>} : vector<16xf32>, vector<16xf32> -> vector<32xbf16>
      %parallel_loop3A_119 = vector.bitcast %parallel_loop3A_118 : vector<32xbf16> to vector<16xi32>
      %parallel_loop3A_120 = arith.constant 16 : i32
      %parallel_loop3A_121 = arith.muli %parallel_loop3A_95, %parallel_loop3A_120 : i32
      %parallel_loop3A_122 = arith.index_cast %parallel_loop3A_121 : i32 to index
      %parallel_loop3A_123 = tpu.vector_load %arg8[%parallel_loop3A_122] {strides = array<i32>} : memref<24576xi32, #tpu.memory_space<vmem>>, vector<16xi32>,
      tpu.vector_store %arg8[%parallel_loop3A_122], %parallel_loop3A_119 {strides = array<i32>} : memref<24576xi32, #tpu.memory_space<vmem>>, vector<16xi32>,
    } {sc.loop_unroll_factor = 8 : i64, sc.parallel_access}
    %scan3A = arith.constant 0 : i32
    %scan3A_53 = arith.constant 0 : i32
    %scan3A_54 = arith.constant 64 : i32
    %scan3A_55 = arith.addi %scan3A_53, %scan3A_54 : i32
    %scan3A_56 = arith.constant 1 : i32
    scf.for %scan3A_95 = %scan3A_53 to %scan3A_55 step %scan3A_56  : i32 {
      %add3A_96 = arith.addi %select_n3A_32, %scan3A_95 : i32
      %rem3A_97 = arith.constant 2 : i32
      %rem3A_98 = arith.remsi %scan3A_95, %rem3A_97 : i32
      %ge3A = arith.constant 2 : i32
      %ge3A_99 = arith.cmpi sge, %scan3A_95, %ge3A : i32
      %convert_element_type3A = arith.extui %ge3A_99 : i1 to i32
      %cond3A = arith.constant 0 : i32
      %cond3A_100 = arith.cmpi ne, %convert_element_type3A, %cond3A : i32
      scf.if %cond3A_100 {
        %dma_wait3A_157 = arith.constant 0 : i32
        %dma_wait3A_158 = arith.constant 0 : i32
        %dma_wait3A_159 = tpu.memref_slice %arg13[%rem3A_98, %dma_wait3A_157, %dma_wait3A_158] : memref<2x12x512xf32, #tpu.memory_space<vmem>> -> memref<1x12x512xf32, #tpu.memory_space<vmem>>
        %dma_wait3A_160 = tpu.memref_squeeze %dma_wait3A_159 : memref<1x12x512xf32, #tpu.memory_space<vmem>> -> memref<12x512xf32, #tpu.memory_space<vmem>>
        %dma_wait3A_161 = arith.constant 0 : i32
        %dma_wait3A_162 = arith.constant 0 : i32
        %dma_wait3A_163 = tpu.memref_slice %arg6[%select_n3A, %dma_wait3A_161, %add3A_96, %dma_wait3A_162] : memref<4x12x512x512xf32, #tpu.memory_space<hbm>> -> memref<1x12x1x512xf32, #tpu.memory_space<hbm>>
        %dma_wait3A_164 = tpu.memref_squeeze %dma_wait3A_163 : memref<1x12x1x512xf32, #tpu.memory_space<hbm>> -> memref<12x512xf32, #tpu.memory_space<hbm>>
        %dma_wait3A_165 = arith.constant 0 : i32
        %dma_wait3A_166 = arith.constant 0 : i32
        %dma_wait3A_167 = tpu.memref_slice %arg6[%select_n3A, %dma_wait3A_165, %add3A_96, %dma_wait3A_166] : memref<4x12x512x512xf32, #tpu.memory_space<hbm>> -> memref<1x12x1x512xf32, #tpu.memory_space<hbm>>
        %dma_wait3A_168 = tpu.memref_squeeze %dma_wait3A_167 : memref<1x12x1x512xf32, #tpu.memory_space<hbm>> -> memref<12x512xf32, #tpu.memory_space<hbm>>
        %dma_wait3A_169 = arith.constant 0 : i32
        %dma_wait3A_170 = arith.constant 0 : i32
        %dma_wait3A_171 = tpu.memref_slice %arg13[%rem3A_98, %dma_wait3A_169, %dma_wait3A_170] : memref<2x12x512xf32, #tpu.memory_space<vmem>> -> memref<1x12x512xf32, #tpu.memory_space<vmem>>
        %dma_wait3A_172 = tpu.memref_squeeze %dma_wait3A_171 : memref<1x12x512xf32, #tpu.memory_space<vmem>> -> memref<12x512xf32, #tpu.memory_space<vmem>>
        tpu.wait_dma2 semaphore(%arg14 : memref<!tpu.dma_semaphore, #tpu.memory_space<semaphore_mem>>) src(%dma_wait3A_172 : memref<12x512xf32, #tpu.memory_space<vmem>>) dst(%dma_wait3A_168 : memref<12x512xf32, #tpu.memory_space<hbm>>)
      } else {
      }
      %convert_element_type3A_101 = arith.sitofp %add3A_96 : i32 to f32
      %mul3A_102 = arith.constant 0.00195694715 : f32
      %mul3A_103 = arith.mulf %convert_element_type3A_101, %mul3A_102 : f32
      %mul3A_104 = arith.constant 2.000000e+00 : f32
      %mul3A_105 = arith.mulf %mul3A_103, %mul3A_104 : f32
      %sub3A_106 = arith.constant 1.000000e+00 : f32
      %sub3A_107 = arith.subf %mul3A_105, %sub3A_106 : f32
      %add3A_108 = arith.constant 1.000000e+00 : f32
      %add3A_109 = arith.addf %sub3A_107, %add3A_108 : f32
      %mul3A_110 = arith.constant 5.000000e-01 : f32
      %mul3A_111 = arith.mulf %add3A_109, %mul3A_110 : f32
      %mul3A_112 = arith.constant 1.500000e+01 : f32
      %mul3A_113 = arith.mulf %mul3A_111, %mul3A_112 : f32
      %jit3A_114 = arith.constant 0.000000e+00 : f32
      %jit3A_115 = arith.constant 1.500000e+01 : f32
      %max3A = arith.maximumf %jit3A_114, %mul3A_113 : f32
      %min3A_116 = arith.minimumf %jit3A_115, %max3A : f32
      %broadcast_in_dim3A = vector.broadcast %min3A_116 : f32 to vector<16xf32>
      %convert_element_type3A_117 = arith.fptosi %broadcast_in_dim3A : vector<16xf32> to vector<16xi32>
      %min3A_118 = arith.constant 14 : i32
      %min3A_119 = vector.broadcast %min3A_118 : i32 to vector<16xi32>
      %min3A_120 = arith.minsi %convert_element_type3A_117, %min3A_119 : vector<16xi32>
      %convert_element_type3A_121 = arith.sitofp %min3A_120 : vector<16xi32> to vector<16xf32>
      %sub3A_122 = arith.subf %broadcast_in_dim3A, %convert_element_type3A_121 : vector<16xf32>
      %broadcast_in_dim3A_123 = arith.constant 1.000000e+00 : f32
      %broadcast_in_dim3A_124 = vector.broadcast %broadcast_in_dim3A_123 : f32 to vector<16xf32>
      %sub3A_125 = arith.subf %broadcast_in_dim3A_124, %sub3A_122 : vector<16xf32>
      %reduce_max3A = arith.constant true
      %reduce_max3A_126 = vector.broadcast %reduce_max3A : i1 to vector<16xi1>
      %reduce_max3A_127 = arith.constant -2147483648 : i32
      %reduce_max3A_128 = vector.broadcast %reduce_max3A_127 : i32 to vector<16xi32>
      %reduce_max3A_129 = arith.xori %min3A_120, %reduce_max3A_128 : vector<16xi32>
      %reduce_max3A_130 = tpu.scan <max>, %reduce_max3A_129 masked %reduce_max3A_126 : vector<16xi32>, vector<16xi1> -> vector<16xi32>
      %reduce_max3A_131 = arith.xori %reduce_max3A_130, %reduce_max3A_128 : vector<16xi32>
      %reduce_max3A_132 = vector.extract %reduce_max3A_131[15] : i32 from vector<16xi32>
      %mul3A_133 = arith.constant 128 : i32
      %mul3A_134 = arith.muli %reduce_max3A_132, %mul3A_133 : i32
      %pack3A = tpu.pack_subelements %sub3A_125, %sub3A_125 {pack_format = #tpu.pack_format<interleaved>, positions = array<i32: 0, 1>} : vector<16xf32>, vector<16xf32> -> vector<32xbf16>
      %pack3A_135 = tpu.pack_subelements %sub3A_122, %sub3A_122 {pack_format = #tpu.pack_format<interleaved>, positions = array<i32: 0, 1>} : vector<16xf32>, vector<16xf32> -> vector<32xbf16>
      %parallel_loop3A_136 = arith.constant 0 : i32
      %parallel_loop3A_137 = arith.constant 96 : i32
      %parallel_loop3A_138 = arith.constant 1 : i32
      scf.for %parallel_loop3A_157 = %parallel_loop3A_136 to %parallel_loop3A_137 step %parallel_loop3A_138  : i32 {
        %parallel_loop3A_158 = arith.constant 16 : i32
        %parallel_loop3A_159 = arith.muli %parallel_loop3A_157, %parallel_loop3A_158 : i32
        %parallel_loop3A_160 = arith.addi %mul3A_134, %parallel_loop3A_159 : i32
        %parallel_loop3A_161 = arith.constant 3 : i32
        %parallel_loop3A_162 = arith.shrui %parallel_loop3A_157, %parallel_loop3A_161 : i32
        %parallel_loop3A_163 = arith.constant 1920 : i32
        %parallel_loop3A_164 = arith.muli %parallel_loop3A_162, %parallel_loop3A_163 : i32
        %parallel_loop3A_165 = arith.addi %parallel_loop3A_160, %parallel_loop3A_164 : i32
        %parallel_loop3A_166 = arith.index_cast %parallel_loop3A_165 : i32 to index
        %parallel_loop3A_167 = tpu.vector_load %arg8[%parallel_loop3A_166] {strides = array<i32>} : memref<24576xi32, #tpu.memory_space<vmem>>, vector<16xi32>,
        %parallel_loop3A_168 = vector.bitcast %parallel_loop3A_167 : vector<16xi32> to vector<32xbf16>
        %parallel_loop3A_169 = arith.constant 128 : i32
        %parallel_loop3A_170 = arith.addi %parallel_loop3A_165, %parallel_loop3A_169 : i32
        %parallel_loop3A_171 = arith.index_cast %parallel_loop3A_170 : i32 to index
        %parallel_loop3A_172 = tpu.vector_load %arg8[%parallel_loop3A_171] {strides = array<i32>} : memref<24576xi32, #tpu.memory_space<vmem>>, vector<16xi32>,
        %parallel_loop3A_173 = vector.bitcast %parallel_loop3A_172 : vector<16xi32> to vector<32xbf16>
        %parallel_loop3A_174 = arith.mulf %pack3A, %parallel_loop3A_168 : vector<32xbf16>
        %parallel_loop3A_175 = arith.mulf %pack3A_135, %parallel_loop3A_173 : vector<32xbf16>
        %parallel_loop3A_176 = arith.addf %parallel_loop3A_174, %parallel_loop3A_175 : vector<32xbf16>
        %parallel_loop3A_177 = vector.bitcast %parallel_loop3A_176 : vector<32xbf16> to vector<16xi32>
        %parallel_loop3A_178 = arith.constant 16 : i32
        %parallel_loop3A_179 = arith.muli %parallel_loop3A_157, %parallel_loop3A_178 : i32
        %parallel_loop3A_180 = arith.index_cast %parallel_loop3A_179 : i32 to index
        %parallel_loop3A_181 = tpu.vector_load %arg12[%parallel_loop3A_180] {strides = array<i32>} : memref<1536xi32, #tpu.memory_space<vmem>>, vector<16xi32>,
        tpu.vector_store %arg12[%parallel_loop3A_180], %parallel_loop3A_177 {strides = array<i32>} : memref<1536xi32, #tpu.memory_space<vmem>>, vector<16xi32>,
      } {sc.loop_unroll_factor = 8 : i64, sc.parallel_access}
      %parallel_loop3A_139 = arith.constant 0 : i32
      %parallel_loop3A_140 = arith.constant 32 : i32
      %parallel_loop3A_141 = arith.constant 1 : i32
      scf.for %parallel_loop3A_157 = %parallel_loop3A_139 to %parallel_loop3A_140 step %parallel_loop3A_141  : i32 {
        %parallel_loop3A_158 = arith.constant 16 : i32
        %parallel_loop3A_159 = arith.muli %parallel_loop3A_157, %parallel_loop3A_158 : i32
        %parallel_loop3A_160 = arith.index_cast %scan3A_95 : i32 to index
        %parallel_loop3A_161 = arith.index_cast %parallel_loop3A_159 : i32 to index
        %parallel_loop3A_162 = tpu.vector_load %arg9[%parallel_loop3A_160, %parallel_loop3A_161] {strides = array<i32>} : memref<64x512xf32, #tpu.memory_space<vmem>>, vector<16xf32>,
        %parallel_loop3A_163 = arith.index_cast %parallel_loop3A_159 : i32 to index
        %parallel_loop3A_164 = tpu.vector_load %arg10[%parallel_loop3A_163] {strides = array<i32>} : memref<512xf32, #tpu.memory_space<vmem>>, vector<16xf32>,
        %parallel_loop3A_165 = arith.index_cast %parallel_loop3A_159 : i32 to index
        %parallel_loop3A_166 = tpu.vector_load %arg11[%parallel_loop3A_165] {strides = array<i32>} : memref<512xi32, #tpu.memory_space<vmem>>, vector<16xi32>,
        %parallel_loop3A_167 = arith.constant 1.000000e+00 : f32
        %parallel_loop3A_168 = vector.broadcast %parallel_loop3A_167 : f32 to vector<16xf32>
        %parallel_loop3A_169 = arith.addf %parallel_loop3A_162, %parallel_loop3A_168 : vector<16xf32>
        %parallel_loop3A_170 = arith.constant 3.500000e+00 : f32
        %parallel_loop3A_171 = vector.broadcast %parallel_loop3A_170 : f32 to vector<16xf32>
        %parallel_loop3A_172 = arith.mulf %parallel_loop3A_169, %parallel_loop3A_171 : vector<16xf32>
        %parallel_loop3A_173 = arith.constant 0.000000e+00 : f32
        %parallel_loop3A_174 = arith.constant 7.000000e+00 : f32
        %parallel_loop3A_175 = vector.broadcast %parallel_loop3A_173 : f32 to vector<16xf32>
        %parallel_loop3A_176 = arith.maximumf %parallel_loop3A_175, %parallel_loop3A_172 : vector<16xf32>
        %parallel_loop3A_177 = vector.broadcast %parallel_loop3A_174 : f32 to vector<16xf32>
        %parallel_loop3A_178 = arith.minimumf %parallel_loop3A_177, %parallel_loop3A_176 : vector<16xf32>
        %parallel_loop3A_179 = arith.fptosi %parallel_loop3A_178 : vector<16xf32> to vector<16xi32>
        %parallel_loop3A_180 = arith.constant 6 : i32
        %parallel_loop3A_181 = vector.broadcast %parallel_loop3A_180 : i32 to vector<16xi32>
        %parallel_loop3A_182 = arith.minsi %parallel_loop3A_179, %parallel_loop3A_181 : vector<16xi32>
        %parallel_loop3A_183 = arith.sitofp %parallel_loop3A_182 : vector<16xi32> to vector<16xf32>
        %parallel_loop3A_184 = arith.subf %parallel_loop3A_178, %parallel_loop3A_183 : vector<16xf32>
        %parallel_loop3A_185 = arith.addi %parallel_loop3A_166, %parallel_loop3A_182 : vector<16xi32>
        %parallel_loop3A_186 = arith.constant 8 : i32
        %parallel_loop3A_187 = vector.broadcast %parallel_loop3A_186 : i32 to vector<16xi32>
        %parallel_loop3A_188 = arith.addi %parallel_loop3A_185, %parallel_loop3A_187 : vector<16xi32>
        %parallel_loop3A_189 = arith.constant 1.000000e+00 : f32
        %parallel_loop3A_190 = vector.broadcast %parallel_loop3A_189 : f32 to vector<16xf32>
        %parallel_loop3A_191 = arith.subf %parallel_loop3A_190, %parallel_loop3A_184 : vector<16xf32>
        %parallel_loop3A_192 = arith.subf %parallel_loop3A_190, %parallel_loop3A_164 : vector<16xf32>
        %parallel_loop3A_193 = arith.mulf %parallel_loop3A_192, %parallel_loop3A_191 : vector<16xf32>
        %parallel_loop3A_194 = arith.mulf %parallel_loop3A_192, %parallel_loop3A_184 : vector<16xf32>
        %parallel_loop3A_195 = arith.mulf %parallel_loop3A_164, %parallel_loop3A_191 : vector<16xf32>
        %parallel_loop3A_196 = arith.mulf %parallel_loop3A_164, %parallel_loop3A_184 : vector<16xf32>
        %parallel_loop3A_197 = tpu.pack_subelements %parallel_loop3A_193, %parallel_loop3A_194 {pack_format = #tpu.pack_format<interleaved>, positions = array<i32: 0, 1>} : vector<16xf32>, vector<16xf32> -> vector<32xbf16>
        %parallel_loop3A_198 = tpu.pack_subelements %parallel_loop3A_195, %parallel_loop3A_196 {pack_format = #tpu.pack_format<interleaved>, positions = array<i32: 0, 1>} : vector<16xf32>, vector<16xf32> -> vector<32xbf16>
        %parallel_loop3A_199 = arith.constant 0 : i32
        %parallel_loop3A_200 = tpu.memref_slice %arg12[%parallel_loop3A_199] : memref<1536xi32, #tpu.memory_space<vmem>> -> memref<128xi32, #tpu.memory_space<vmem>>
        %parallel_loop3A_201 = tpu.vector_load_idx %parallel_loop3A_200[%parallel_loop3A_185] : memref<128xi32, #tpu.memory_space<vmem>>[vector<16xi32>], vector<16xi32>,
        %parallel_loop3A_202 = arith.constant 0 : i32
        %parallel_loop3A_203 = tpu.memref_slice %arg12[%parallel_loop3A_202] : memref<1536xi32, #tpu.memory_space<vmem>> -> memref<128xi32, #tpu.memory_space<vmem>>
        %parallel_loop3A_204 = tpu.vector_load_idx %parallel_loop3A_203[%parallel_loop3A_188] : memref<128xi32, #tpu.memory_space<vmem>>[vector<16xi32>], vector<16xi32>,
        %parallel_loop3A_205 = vector.bitcast %parallel_loop3A_201 : vector<16xi32> to vector<32xbf16>
        %parallel_loop3A_206 = arith.mulf %parallel_loop3A_197, %parallel_loop3A_205 : vector<32xbf16>
        %parallel_loop3A_207 = vector.bitcast %parallel_loop3A_204 : vector<16xi32> to vector<32xbf16>
        %parallel_loop3A_208 = arith.mulf %parallel_loop3A_198, %parallel_loop3A_207 : vector<32xbf16>
        %parallel_loop3A_209 = arith.addf %parallel_loop3A_206, %parallel_loop3A_208 : vector<32xbf16>
        %parallel_loop3A_210 = tpu.unpack_subelements %parallel_loop3A_209, 0 {pack_format = #tpu.pack_format<interleaved>} : vector<32xbf16> -> vector<16xf32>
        %parallel_loop3A_211 = tpu.unpack_subelements %parallel_loop3A_209, 1 {pack_format = #tpu.pack_format<interleaved>} : vector<32xbf16> -> vector<16xf32>
        %parallel_loop3A_212 = arith.addf %parallel_loop3A_210, %parallel_loop3A_211 : vector<16xf32>
        %parallel_loop3A_213 = arith.constant 0 : i32
        %parallel_loop3A_214 = arith.index_cast %rem3A_98 : i32 to index
        %parallel_loop3A_215 = arith.index_cast %parallel_loop3A_213 : i32 to index
        %parallel_loop3A_216 = arith.index_cast %parallel_loop3A_159 : i32 to index
        %parallel_loop3A_217 = tpu.vector_load %arg13[%parallel_loop3A_214, %parallel_loop3A_215, %parallel_loop3A_216] {strides = array<i32>} : memref<2x12x512xf32, #tpu.memory_space<vmem>>, vector<16xf32>,
        tpu.vector_store %arg13[%parallel_loop3A_214, %parallel_loop3A_215, %parallel_loop3A_216], %parallel_loop3A_212 {strides = array<i32>} : memref<2x12x512xf32, #tpu.memory_space<vmem>>, vector<16xf32>,
        %parallel_loop3A_218 = arith.constant 128 : i32
        %parallel_loop3A_219 = tpu.memref_slice %arg12[%parallel_loop3A_218] : memref<1536xi32, #tpu.memory_space<vmem>> -> memref<128xi32, #tpu.memory_space<vmem>>
        %parallel_loop3A_220 = tpu.vector_load_idx %parallel_loop3A_219[%parallel_loop3A_185] : memref<128xi32, #tpu.memory_space<vmem>>[vector<16xi32>], vector<16xi32>,
        %parallel_loop3A_221 = arith.constant 128 : i32
        %parallel_loop3A_222 = tpu.memref_slice %arg12[%parallel_loop3A_221] : memref<1536xi32, #tpu.memory_space<vmem>> -> memref<128xi32, #tpu.memory_space<vmem>>
        %parallel_loop3A_223 = tpu.vector_load_idx %parallel_loop3A_222[%parallel_loop3A_188] : memref<128xi32, #tpu.memory_space<vmem>>[vector<16xi32>], vector<16xi32>,
        %parallel_loop3A_224 = vector.bitcast %parallel_loop3A_220 : vector<16xi32> to vector<32xbf16>
        %parallel_loop3A_225 = arith.mulf %parallel_loop3A_197, %parallel_loop3A_224 : vector<32xbf16>
        %parallel_loop3A_226 = vector.bitcast %parallel_loop3A_223 : vector<16xi32> to vector<32xbf16>
        %parallel_loop3A_227 = arith.mulf %parallel_loop3A_198, %parallel_loop3A_226 : vector<32xbf16>
        %parallel_loop3A_228 = arith.addf %parallel_loop3A_225, %parallel_loop3A_227 : vector<32xbf16>
        %parallel_loop3A_229 = tpu.unpack_subelements %parallel_loop3A_228, 0 {pack_format = #tpu.pack_format<interleaved>} : vector<32xbf16> -> vector<16xf32>
        %parallel_loop3A_230 = tpu.unpack_subelements %parallel_loop3A_228, 1 {pack_format = #tpu.pack_format<interleaved>} : vector<32xbf16> -> vector<16xf32>
        %parallel_loop3A_231 = arith.addf %parallel_loop3A_229, %parallel_loop3A_230 : vector<16xf32>
        %parallel_loop3A_232 = arith.constant 1 : i32
        %parallel_loop3A_233 = arith.index_cast %rem3A_98 : i32 to index
        %parallel_loop3A_234 = arith.index_cast %parallel_loop3A_232 : i32 to index
        %parallel_loop3A_235 = arith.index_cast %parallel_loop3A_159 : i32 to index
        %parallel_loop3A_236 = tpu.vector_load %arg13[%parallel_loop3A_233, %parallel_loop3A_234, %parallel_loop3A_235] {strides = array<i32>} : memref<2x12x512xf32, #tpu.memory_space<vmem>>, vector<16xf32>,
        tpu.vector_store %arg13[%parallel_loop3A_233, %parallel_loop3A_234, %parallel_loop3A_235], %parallel_loop3A_231 {strides = array<i32>} : memref<2x12x512xf32, #tpu.memory_space<vmem>>, vector<16xf32>,
        %parallel_loop3A_237 = arith.constant 256 : i32
        %parallel_loop3A_238 = tpu.memref_slice %arg12[%parallel_loop3A_237] : memref<1536xi32, #tpu.memory_space<vmem>> -> memref<128xi32, #tpu.memory_space<vmem>>
        %parallel_loop3A_239 = tpu.vector_load_idx %parallel_loop3A_238[%parallel_loop3A_185] : memref<128xi32, #tpu.memory_space<vmem>>[vector<16xi32>], vector<16xi32>,
        %parallel_loop3A_240 = arith.constant 256 : i32
        %parallel_loop3A_241 = tpu.memref_slice %arg12[%parallel_loop3A_240] : memref<1536xi32, #tpu.memory_space<vmem>> -> memref<128xi32, #tpu.memory_space<vmem>>
        %parallel_loop3A_242 = tpu.vector_load_idx %parallel_loop3A_241[%parallel_loop3A_188] : memref<128xi32, #tpu.memory_space<vmem>>[vector<16xi32>], vector<16xi32>,
        %parallel_loop3A_243 = vector.bitcast %parallel_loop3A_239 : vector<16xi32> to vector<32xbf16>
        %parallel_loop3A_244 = arith.mulf %parallel_loop3A_197, %parallel_loop3A_243 : vector<32xbf16>
        %parallel_loop3A_245 = vector.bitcast %parallel_loop3A_242 : vector<16xi32> to vector<32xbf16>
        %parallel_loop3A_246 = arith.mulf %parallel_loop3A_198, %parallel_loop3A_245 : vector<32xbf16>
        %parallel_loop3A_247 = arith.addf %parallel_loop3A_244, %parallel_loop3A_246 : vector<32xbf16>
        %parallel_loop3A_248 = tpu.unpack_subelements %parallel_loop3A_247, 0 {pack_format = #tpu.pack_format<interleaved>} : vector<32xbf16> -> vector<16xf32>
        %parallel_loop3A_249 = tpu.unpack_subelements %parallel_loop3A_247, 1 {pack_format = #tpu.pack_format<interleaved>} : vector<32xbf16> -> vector<16xf32>
        %parallel_loop3A_250 = arith.addf %parallel_loop3A_248, %parallel_loop3A_249 : vector<16xf32>
        %parallel_loop3A_251 = arith.constant 2 : i32
        %parallel_loop3A_252 = arith.index_cast %rem3A_98 : i32 to index
        %parallel_loop3A_253 = arith.index_cast %parallel_loop3A_251 : i32 to index
        %parallel_loop3A_254 = arith.index_cast %parallel_loop3A_159 : i32 to index
        %parallel_loop3A_255 = tpu.vector_load %arg13[%parallel_loop3A_252, %parallel_loop3A_253, %parallel_loop3A_254] {strides = array<i32>} : memref<2x12x512xf32, #tpu.memory_space<vmem>>, vector<16xf32>,
        tpu.vector_store %arg13[%parallel_loop3A_252, %parallel_loop3A_253, %parallel_loop3A_254], %parallel_loop3A_250 {strides = array<i32>} : memref<2x12x512xf32, #tpu.memory_space<vmem>>, vector<16xf32>,
        %parallel_loop3A_256 = arith.constant 384 : i32
        %parallel_loop3A_257 = tpu.memref_slice %arg12[%parallel_loop3A_256] : memref<1536xi32, #tpu.memory_space<vmem>> -> memref<128xi32, #tpu.memory_space<vmem>>
        %parallel_loop3A_258 = tpu.vector_load_idx %parallel_loop3A_257[%parallel_loop3A_185] : memref<128xi32, #tpu.memory_space<vmem>>[vector<16xi32>], vector<16xi32>,
        %parallel_loop3A_259 = arith.constant 384 : i32
        %parallel_loop3A_260 = tpu.memref_slice %arg12[%parallel_loop3A_259] : memref<1536xi32, #tpu.memory_space<vmem>> -> memref<128xi32, #tpu.memory_space<vmem>>
        %parallel_loop3A_261 = tpu.vector_load_idx %parallel_loop3A_260[%parallel_loop3A_188] : memref<128xi32, #tpu.memory_space<vmem>>[vector<16xi32>], vector<16xi32>,
        %parallel_loop3A_262 = vector.bitcast %parallel_loop3A_258 : vector<16xi32> to vector<32xbf16>
        %parallel_loop3A_263 = arith.mulf %parallel_loop3A_197, %parallel_loop3A_262 : vector<32xbf16>
        %parallel_loop3A_264 = vector.bitcast %parallel_loop3A_261 : vector<16xi32> to vector<32xbf16>
        %parallel_loop3A_265 = arith.mulf %parallel_loop3A_198, %parallel_loop3A_264 : vector<32xbf16>
        %parallel_loop3A_266 = arith.addf %parallel_loop3A_263, %parallel_loop3A_265 : vector<32xbf16>
        %parallel_loop3A_267 = tpu.unpack_subelements %parallel_loop3A_266, 0 {pack_format = #tpu.pack_format<interleaved>} : vector<32xbf16> -> vector<16xf32>
        %parallel_loop3A_268 = tpu.unpack_subelements %parallel_loop3A_266, 1 {pack_format = #tpu.pack_format<interleaved>} : vector<32xbf16> -> vector<16xf32>
        %parallel_loop3A_269 = arith.addf %parallel_loop3A_267, %parallel_loop3A_268 : vector<16xf32>
        %parallel_loop3A_270 = arith.constant 3 : i32
        %parallel_loop3A_271 = arith.index_cast %rem3A_98 : i32 to index
        %parallel_loop3A_272 = arith.index_cast %parallel_loop3A_270 : i32 to index
        %parallel_loop3A_273 = arith.index_cast %parallel_loop3A_159 : i32 to index
        %parallel_loop3A_274 = tpu.vector_load %arg13[%parallel_loop3A_271, %parallel_loop3A_272, %parallel_loop3A_273] {strides = array<i32>} : memref<2x12x512xf32, #tpu.memory_space<vmem>>, vector<16xf32>,
        tpu.vector_store %arg13[%parallel_loop3A_271, %parallel_loop3A_272, %parallel_loop3A_273], %parallel_loop3A_269 {strides = array<i32>} : memref<2x12x512xf32, #tpu.memory_space<vmem>>, vector<16xf32>,
        %parallel_loop3A_275 = arith.constant 512 : i32
        %parallel_loop3A_276 = tpu.memref_slice %arg12[%parallel_loop3A_275] : memref<1536xi32, #tpu.memory_space<vmem>> -> memref<128xi32, #tpu.memory_space<vmem>>
        %parallel_loop3A_277 = tpu.vector_load_idx %parallel_loop3A_276[%parallel_loop3A_185] : memref<128xi32, #tpu.memory_space<vmem>>[vector<16xi32>], vector<16xi32>,
        %parallel_loop3A_278 = arith.constant 512 : i32
        %parallel_loop3A_279 = tpu.memref_slice %arg12[%parallel_loop3A_278] : memref<1536xi32, #tpu.memory_space<vmem>> -> memref<128xi32, #tpu.memory_space<vmem>>
        %parallel_loop3A_280 = tpu.vector_load_idx %parallel_loop3A_279[%parallel_loop3A_188] : memref<128xi32, #tpu.memory_space<vmem>>[vector<16xi32>], vector<16xi32>,
        %parallel_loop3A_281 = vector.bitcast %parallel_loop3A_277 : vector<16xi32> to vector<32xbf16>
        %parallel_loop3A_282 = arith.mulf %parallel_loop3A_197, %parallel_loop3A_281 : vector<32xbf16>
        %parallel_loop3A_283 = vector.bitcast %parallel_loop3A_280 : vector<16xi32> to vector<32xbf16>
        %parallel_loop3A_284 = arith.mulf %parallel_loop3A_198, %parallel_loop3A_283 : vector<32xbf16>
        %parallel_loop3A_285 = arith.addf %parallel_loop3A_282, %parallel_loop3A_284 : vector<32xbf16>
        %parallel_loop3A_286 = tpu.unpack_subelements %parallel_loop3A_285, 0 {pack_format = #tpu.pack_format<interleaved>} : vector<32xbf16> -> vector<16xf32>
        %parallel_loop3A_287 = tpu.unpack_subelements %parallel_loop3A_285, 1 {pack_format = #tpu.pack_format<interleaved>} : vector<32xbf16> -> vector<16xf32>
        %parallel_loop3A_288 = arith.addf %parallel_loop3A_286, %parallel_loop3A_287 : vector<16xf32>
        %parallel_loop3A_289 = arith.constant 4 : i32
        %parallel_loop3A_290 = arith.index_cast %rem3A_98 : i32 to index
        %parallel_loop3A_291 = arith.index_cast %parallel_loop3A_289 : i32 to index
        %parallel_loop3A_292 = arith.index_cast %parallel_loop3A_159 : i32 to index
        %parallel_loop3A_293 = tpu.vector_load %arg13[%parallel_loop3A_290, %parallel_loop3A_291, %parallel_loop3A_292] {strides = array<i32>} : memref<2x12x512xf32, #tpu.memory_space<vmem>>, vector<16xf32>,
        tpu.vector_store %arg13[%parallel_loop3A_290, %parallel_loop3A_291, %parallel_loop3A_292], %parallel_loop3A_288 {strides = array<i32>} : memref<2x12x512xf32, #tpu.memory_space<vmem>>, vector<16xf32>,
        %parallel_loop3A_294 = arith.constant 640 : i32
        %parallel_loop3A_295 = tpu.memref_slice %arg12[%parallel_loop3A_294] : memref<1536xi32, #tpu.memory_space<vmem>> -> memref<128xi32, #tpu.memory_space<vmem>>
        %parallel_loop3A_296 = tpu.vector_load_idx %parallel_loop3A_295[%parallel_loop3A_185] : memref<128xi32, #tpu.memory_space<vmem>>[vector<16xi32>], vector<16xi32>,
        %parallel_loop3A_297 = arith.constant 640 : i32
        %parallel_loop3A_298 = tpu.memref_slice %arg12[%parallel_loop3A_297] : memref<1536xi32, #tpu.memory_space<vmem>> -> memref<128xi32, #tpu.memory_space<vmem>>
        %parallel_loop3A_299 = tpu.vector_load_idx %parallel_loop3A_298[%parallel_loop3A_188] : memref<128xi32, #tpu.memory_space<vmem>>[vector<16xi32>], vector<16xi32>,
        %parallel_loop3A_300 = vector.bitcast %parallel_loop3A_296 : vector<16xi32> to vector<32xbf16>
        %parallel_loop3A_301 = arith.mulf %parallel_loop3A_197, %parallel_loop3A_300 : vector<32xbf16>
        %parallel_loop3A_302 = vector.bitcast %parallel_loop3A_299 : vector<16xi32> to vector<32xbf16>
        %parallel_loop3A_303 = arith.mulf %parallel_loop3A_198, %parallel_loop3A_302 : vector<32xbf16>
        %parallel_loop3A_304 = arith.addf %parallel_loop3A_301, %parallel_loop3A_303 : vector<32xbf16>
        %parallel_loop3A_305 = tpu.unpack_subelements %parallel_loop3A_304, 0 {pack_format = #tpu.pack_format<interleaved>} : vector<32xbf16> -> vector<16xf32>
        %parallel_loop3A_306 = tpu.unpack_subelements %parallel_loop3A_304, 1 {pack_format = #tpu.pack_format<interleaved>} : vector<32xbf16> -> vector<16xf32>
        %parallel_loop3A_307 = arith.addf %parallel_loop3A_305, %parallel_loop3A_306 : vector<16xf32>
        %parallel_loop3A_308 = arith.constant 5 : i32
        %parallel_loop3A_309 = arith.index_cast %rem3A_98 : i32 to index
        %parallel_loop3A_310 = arith.index_cast %parallel_loop3A_308 : i32 to index
        %parallel_loop3A_311 = arith.index_cast %parallel_loop3A_159 : i32 to index
        %parallel_loop3A_312 = tpu.vector_load %arg13[%parallel_loop3A_309, %parallel_loop3A_310, %parallel_loop3A_311] {strides = array<i32>} : memref<2x12x512xf32, #tpu.memory_space<vmem>>, vector<16xf32>,
        tpu.vector_store %arg13[%parallel_loop3A_309, %parallel_loop3A_310, %parallel_loop3A_311], %parallel_loop3A_307 {strides = array<i32>} : memref<2x12x512xf32, #tpu.memory_space<vmem>>, vector<16xf32>,
        %parallel_loop3A_313 = arith.constant 768 : i32
        %parallel_loop3A_314 = tpu.memref_slice %arg12[%parallel_loop3A_313] : memref<1536xi32, #tpu.memory_space<vmem>> -> memref<128xi32, #tpu.memory_space<vmem>>
        %parallel_loop3A_315 = tpu.vector_load_idx %parallel_loop3A_314[%parallel_loop3A_185] : memref<128xi32, #tpu.memory_space<vmem>>[vector<16xi32>], vector<16xi32>,
        %parallel_loop3A_316 = arith.constant 768 : i32
        %parallel_loop3A_317 = tpu.memref_slice %arg12[%parallel_loop3A_316] : memref<1536xi32, #tpu.memory_space<vmem>> -> memref<128xi32, #tpu.memory_space<vmem>>
        %parallel_loop3A_318 = tpu.vector_load_idx %parallel_loop3A_317[%parallel_loop3A_188] : memref<128xi32, #tpu.memory_space<vmem>>[vector<16xi32>], vector<16xi32>,
        %parallel_loop3A_319 = vector.bitcast %parallel_loop3A_315 : vector<16xi32> to vector<32xbf16>
        %parallel_loop3A_320 = arith.mulf %parallel_loop3A_197, %parallel_loop3A_319 : vector<32xbf16>
        %parallel_loop3A_321 = vector.bitcast %parallel_loop3A_318 : vector<16xi32> to vector<32xbf16>
        %parallel_loop3A_322 = arith.mulf %parallel_loop3A_198, %parallel_loop3A_321 : vector<32xbf16>
        %parallel_loop3A_323 = arith.addf %parallel_loop3A_320, %parallel_loop3A_322 : vector<32xbf16>
        %parallel_loop3A_324 = tpu.unpack_subelements %parallel_loop3A_323, 0 {pack_format = #tpu.pack_format<interleaved>} : vector<32xbf16> -> vector<16xf32>
        %parallel_loop3A_325 = tpu.unpack_subelements %parallel_loop3A_323, 1 {pack_format = #tpu.pack_format<interleaved>} : vector<32xbf16> -> vector<16xf32>
        %parallel_loop3A_326 = arith.addf %parallel_loop3A_324, %parallel_loop3A_325 : vector<16xf32>
        %parallel_loop3A_327 = arith.constant 6 : i32
        %parallel_loop3A_328 = arith.index_cast %rem3A_98 : i32 to index
        %parallel_loop3A_329 = arith.index_cast %parallel_loop3A_327 : i32 to index
        %parallel_loop3A_330 = arith.index_cast %parallel_loop3A_159 : i32 to index
        %parallel_loop3A_331 = tpu.vector_load %arg13[%parallel_loop3A_328, %parallel_loop3A_329, %parallel_loop3A_330] {strides = array<i32>} : memref<2x12x512xf32, #tpu.memory_space<vmem>>, vector<16xf32>,
        tpu.vector_store %arg13[%parallel_loop3A_328, %parallel_loop3A_329, %parallel_loop3A_330], %parallel_loop3A_326 {strides = array<i32>} : memref<2x12x512xf32, #tpu.memory_space<vmem>>, vector<16xf32>,
        %parallel_loop3A_332 = arith.constant 896 : i32
        %parallel_loop3A_333 = tpu.memref_slice %arg12[%parallel_loop3A_332] : memref<1536xi32, #tpu.memory_space<vmem>> -> memref<128xi32, #tpu.memory_space<vmem>>
        %parallel_loop3A_334 = tpu.vector_load_idx %parallel_loop3A_333[%parallel_loop3A_185] : memref<128xi32, #tpu.memory_space<vmem>>[vector<16xi32>], vector<16xi32>,
        %parallel_loop3A_335 = arith.constant 896 : i32
        %parallel_loop3A_336 = tpu.memref_slice %arg12[%parallel_loop3A_335] : memref<1536xi32, #tpu.memory_space<vmem>> -> memref<128xi32, #tpu.memory_space<vmem>>
        %parallel_loop3A_337 = tpu.vector_load_idx %parallel_loop3A_336[%parallel_loop3A_188] : memref<128xi32, #tpu.memory_space<vmem>>[vector<16xi32>], vector<16xi32>,
        %parallel_loop3A_338 = vector.bitcast %parallel_loop3A_334 : vector<16xi32> to vector<32xbf16>
        %parallel_loop3A_339 = arith.mulf %parallel_loop3A_197, %parallel_loop3A_338 : vector<32xbf16>
        %parallel_loop3A_340 = vector.bitcast %parallel_loop3A_337 : vector<16xi32> to vector<32xbf16>
        %parallel_loop3A_341 = arith.mulf %parallel_loop3A_198, %parallel_loop3A_340 : vector<32xbf16>
        %parallel_loop3A_342 = arith.addf %parallel_loop3A_339, %parallel_loop3A_341 : vector<32xbf16>
        %parallel_loop3A_343 = tpu.unpack_subelements %parallel_loop3A_342, 0 {pack_format = #tpu.pack_format<interleaved>} : vector<32xbf16> -> vector<16xf32>
        %parallel_loop3A_344 = tpu.unpack_subelements %parallel_loop3A_342, 1 {pack_format = #tpu.pack_format<interleaved>} : vector<32xbf16> -> vector<16xf32>
        %parallel_loop3A_345 = arith.addf %parallel_loop3A_343, %parallel_loop3A_344 : vector<16xf32>
        %parallel_loop3A_346 = arith.constant 7 : i32
        %parallel_loop3A_347 = arith.index_cast %rem3A_98 : i32 to index
        %parallel_loop3A_348 = arith.index_cast %parallel_loop3A_346 : i32 to index
        %parallel_loop3A_349 = arith.index_cast %parallel_loop3A_159 : i32 to index
        %parallel_loop3A_350 = tpu.vector_load %arg13[%parallel_loop3A_347, %parallel_loop3A_348, %parallel_loop3A_349] {strides = array<i32>} : memref<2x12x512xf32, #tpu.memory_space<vmem>>, vector<16xf32>,
        tpu.vector_store %arg13[%parallel_loop3A_347, %parallel_loop3A_348, %parallel_loop3A_349], %parallel_loop3A_345 {strides = array<i32>} : memref<2x12x512xf32, #tpu.memory_space<vmem>>, vector<16xf32>,
        %parallel_loop3A_351 = arith.constant 1024 : i32
        %parallel_loop3A_352 = tpu.memref_slice %arg12[%parallel_loop3A_351] : memref<1536xi32, #tpu.memory_space<vmem>> -> memref<128xi32, #tpu.memory_space<vmem>>
        %parallel_loop3A_353 = tpu.vector_load_idx %parallel_loop3A_352[%parallel_loop3A_185] : memref<128xi32, #tpu.memory_space<vmem>>[vector<16xi32>], vector<16xi32>,
        %parallel_loop3A_354 = arith.constant 1024 : i32
        %parallel_loop3A_355 = tpu.memref_slice %arg12[%parallel_loop3A_354] : memref<1536xi32, #tpu.memory_space<vmem>> -> memref<128xi32, #tpu.memory_space<vmem>>
        %parallel_loop3A_356 = tpu.vector_load_idx %parallel_loop3A_355[%parallel_loop3A_188] : memref<128xi32, #tpu.memory_space<vmem>>[vector<16xi32>], vector<16xi32>,
        %parallel_loop3A_357 = vector.bitcast %parallel_loop3A_353 : vector<16xi32> to vector<32xbf16>
        %parallel_loop3A_358 = arith.mulf %parallel_loop3A_197, %parallel_loop3A_357 : vector<32xbf16>
        %parallel_loop3A_359 = vector.bitcast %parallel_loop3A_356 : vector<16xi32> to vector<32xbf16>
        %parallel_loop3A_360 = arith.mulf %parallel_loop3A_198, %parallel_loop3A_359 : vector<32xbf16>
        %parallel_loop3A_361 = arith.addf %parallel_loop3A_358, %parallel_loop3A_360 : vector<32xbf16>
        %parallel_loop3A_362 = tpu.unpack_subelements %parallel_loop3A_361, 0 {pack_format = #tpu.pack_format<interleaved>} : vector<32xbf16> -> vector<16xf32>
        %parallel_loop3A_363 = tpu.unpack_subelements %parallel_loop3A_361, 1 {pack_format = #tpu.pack_format<interleaved>} : vector<32xbf16> -> vector<16xf32>
        %parallel_loop3A_364 = arith.addf %parallel_loop3A_362, %parallel_loop3A_363 : vector<16xf32>
        %parallel_loop3A_365 = arith.constant 8 : i32
        %parallel_loop3A_366 = arith.index_cast %rem3A_98 : i32 to index
        %parallel_loop3A_367 = arith.index_cast %parallel_loop3A_365 : i32 to index
        %parallel_loop3A_368 = arith.index_cast %parallel_loop3A_159 : i32 to index
        %parallel_loop3A_369 = tpu.vector_load %arg13[%parallel_loop3A_366, %parallel_loop3A_367, %parallel_loop3A_368] {strides = array<i32>} : memref<2x12x512xf32, #tpu.memory_space<vmem>>, vector<16xf32>,
        tpu.vector_store %arg13[%parallel_loop3A_366, %parallel_loop3A_367, %parallel_loop3A_368], %parallel_loop3A_364 {strides = array<i32>} : memref<2x12x512xf32, #tpu.memory_space<vmem>>, vector<16xf32>,
        %parallel_loop3A_370 = arith.constant 1152 : i32
        %parallel_loop3A_371 = tpu.memref_slice %arg12[%parallel_loop3A_370] : memref<1536xi32, #tpu.memory_space<vmem>> -> memref<128xi32, #tpu.memory_space<vmem>>
        %parallel_loop3A_372 = tpu.vector_load_idx %parallel_loop3A_371[%parallel_loop3A_185] : memref<128xi32, #tpu.memory_space<vmem>>[vector<16xi32>], vector<16xi32>,
        %parallel_loop3A_373 = arith.constant 1152 : i32
        %parallel_loop3A_374 = tpu.memref_slice %arg12[%parallel_loop3A_373] : memref<1536xi32, #tpu.memory_space<vmem>> -> memref<128xi32, #tpu.memory_space<vmem>>
        %parallel_loop3A_375 = tpu.vector_load_idx %parallel_loop3A_374[%parallel_loop3A_188] : memref<128xi32, #tpu.memory_space<vmem>>[vector<16xi32>], vector<16xi32>,
        %parallel_loop3A_376 = vector.bitcast %parallel_loop3A_372 : vector<16xi32> to vector<32xbf16>
        %parallel_loop3A_377 = arith.mulf %parallel_loop3A_197, %parallel_loop3A_376 : vector<32xbf16>
        %parallel_loop3A_378 = vector.bitcast %parallel_loop3A_375 : vector<16xi32> to vector<32xbf16>
        %parallel_loop3A_379 = arith.mulf %parallel_loop3A_198, %parallel_loop3A_378 : vector<32xbf16>
        %parallel_loop3A_380 = arith.addf %parallel_loop3A_377, %parallel_loop3A_379 : vector<32xbf16>
        %parallel_loop3A_381 = tpu.unpack_subelements %parallel_loop3A_380, 0 {pack_format = #tpu.pack_format<interleaved>} : vector<32xbf16> -> vector<16xf32>
        %parallel_loop3A_382 = tpu.unpack_subelements %parallel_loop3A_380, 1 {pack_format = #tpu.pack_format<interleaved>} : vector<32xbf16> -> vector<16xf32>
        %parallel_loop3A_383 = arith.addf %parallel_loop3A_381, %parallel_loop3A_382 : vector<16xf32>
        %parallel_loop3A_384 = arith.constant 9 : i32
        %parallel_loop3A_385 = arith.index_cast %rem3A_98 : i32 to index
        %parallel_loop3A_386 = arith.index_cast %parallel_loop3A_384 : i32 to index
        %parallel_loop3A_387 = arith.index_cast %parallel_loop3A_159 : i32 to index
        %parallel_loop3A_388 = tpu.vector_load %arg13[%parallel_loop3A_385, %parallel_loop3A_386, %parallel_loop3A_387] {strides = array<i32>} : memref<2x12x512xf32, #tpu.memory_space<vmem>>, vector<16xf32>,
        tpu.vector_store %arg13[%parallel_loop3A_385, %parallel_loop3A_386, %parallel_loop3A_387], %parallel_loop3A_383 {strides = array<i32>} : memref<2x12x512xf32, #tpu.memory_space<vmem>>, vector<16xf32>,
        %parallel_loop3A_389 = arith.constant 1280 : i32
        %parallel_loop3A_390 = tpu.memref_slice %arg12[%parallel_loop3A_389] : memref<1536xi32, #tpu.memory_space<vmem>> -> memref<128xi32, #tpu.memory_space<vmem>>
        %parallel_loop3A_391 = tpu.vector_load_idx %parallel_loop3A_390[%parallel_loop3A_185] : memref<128xi32, #tpu.memory_space<vmem>>[vector<16xi32>], vector<16xi32>,
        %parallel_loop3A_392 = arith.constant 1280 : i32
        %parallel_loop3A_393 = tpu.memref_slice %arg12[%parallel_loop3A_392] : memref<1536xi32, #tpu.memory_space<vmem>> -> memref<128xi32, #tpu.memory_space<vmem>>
        %parallel_loop3A_394 = tpu.vector_load_idx %parallel_loop3A_393[%parallel_loop3A_188] : memref<128xi32, #tpu.memory_space<vmem>>[vector<16xi32>], vector<16xi32>,
        %parallel_loop3A_395 = vector.bitcast %parallel_loop3A_391 : vector<16xi32> to vector<32xbf16>
        %parallel_loop3A_396 = arith.mulf %parallel_loop3A_197, %parallel_loop3A_395 : vector<32xbf16>
        %parallel_loop3A_397 = vector.bitcast %parallel_loop3A_394 : vector<16xi32> to vector<32xbf16>
        %parallel_loop3A_398 = arith.mulf %parallel_loop3A_198, %parallel_loop3A_397 : vector<32xbf16>
        %parallel_loop3A_399 = arith.addf %parallel_loop3A_396, %parallel_loop3A_398 : vector<32xbf16>
        %parallel_loop3A_400 = tpu.unpack_subelements %parallel_loop3A_399, 0 {pack_format = #tpu.pack_format<interleaved>} : vector<32xbf16> -> vector<16xf32>
        %parallel_loop3A_401 = tpu.unpack_subelements %parallel_loop3A_399, 1 {pack_format = #tpu.pack_format<interleaved>} : vector<32xbf16> -> vector<16xf32>
        %parallel_loop3A_402 = arith.addf %parallel_loop3A_400, %parallel_loop3A_401 : vector<16xf32>
        %parallel_loop3A_403 = arith.constant 10 : i32
        %parallel_loop3A_404 = arith.index_cast %rem3A_98 : i32 to index
        %parallel_loop3A_405 = arith.index_cast %parallel_loop3A_403 : i32 to index
        %parallel_loop3A_406 = arith.index_cast %parallel_loop3A_159 : i32 to index
        %parallel_loop3A_407 = tpu.vector_load %arg13[%parallel_loop3A_404, %parallel_loop3A_405, %parallel_loop3A_406] {strides = array<i32>} : memref<2x12x512xf32, #tpu.memory_space<vmem>>, vector<16xf32>,
        tpu.vector_store %arg13[%parallel_loop3A_404, %parallel_loop3A_405, %parallel_loop3A_406], %parallel_loop3A_402 {strides = array<i32>} : memref<2x12x512xf32, #tpu.memory_space<vmem>>, vector<16xf32>,
        %parallel_loop3A_408 = arith.constant 1408 : i32
        %parallel_loop3A_409 = tpu.memref_slice %arg12[%parallel_loop3A_408] : memref<1536xi32, #tpu.memory_space<vmem>> -> memref<128xi32, #tpu.memory_space<vmem>>
        %parallel_loop3A_410 = tpu.vector_load_idx %parallel_loop3A_409[%parallel_loop3A_185] : memref<128xi32, #tpu.memory_space<vmem>>[vector<16xi32>], vector<16xi32>,
        %parallel_loop3A_411 = arith.constant 1408 : i32
        %parallel_loop3A_412 = tpu.memref_slice %arg12[%parallel_loop3A_411] : memref<1536xi32, #tpu.memory_space<vmem>> -> memref<128xi32, #tpu.memory_space<vmem>>
        %parallel_loop3A_413 = tpu.vector_load_idx %parallel_loop3A_412[%parallel_loop3A_188] : memref<128xi32, #tpu.memory_space<vmem>>[vector<16xi32>], vector<16xi32>,
        %parallel_loop3A_414 = vector.bitcast %parallel_loop3A_410 : vector<16xi32> to vector<32xbf16>
        %parallel_loop3A_415 = arith.mulf %parallel_loop3A_197, %parallel_loop3A_414 : vector<32xbf16>
        %parallel_loop3A_416 = vector.bitcast %parallel_loop3A_413 : vector<16xi32> to vector<32xbf16>
        %parallel_loop3A_417 = arith.mulf %parallel_loop3A_198, %parallel_loop3A_416 : vector<32xbf16>
        %parallel_loop3A_418 = arith.addf %parallel_loop3A_415, %parallel_loop3A_417 : vector<32xbf16>
        %parallel_loop3A_419 = tpu.unpack_subelements %parallel_loop3A_418, 0 {pack_format = #tpu.pack_format<interleaved>} : vector<32xbf16> -> vector<16xf32>
        %parallel_loop3A_420 = tpu.unpack_subelements %parallel_loop3A_418, 1 {pack_format = #tpu.pack_format<interleaved>} : vector<32xbf16> -> vector<16xf32>
        %parallel_loop3A_421 = arith.addf %parallel_loop3A_419, %parallel_loop3A_420 : vector<16xf32>
        %parallel_loop3A_422 = arith.constant 11 : i32
        %parallel_loop3A_423 = arith.index_cast %rem3A_98 : i32 to index
        %parallel_loop3A_424 = arith.index_cast %parallel_loop3A_422 : i32 to index
        %parallel_loop3A_425 = arith.index_cast %parallel_loop3A_159 : i32 to index
        %parallel_loop3A_426 = tpu.vector_load %arg13[%parallel_loop3A_423, %parallel_loop3A_424, %parallel_loop3A_425] {strides = array<i32>} : memref<2x12x512xf32, #tpu.memory_space<vmem>>, vector<16xf32>,
        tpu.vector_store %arg13[%parallel_loop3A_423, %parallel_loop3A_424, %parallel_loop3A_425], %parallel_loop3A_421 {strides = array<i32>} : memref<2x12x512xf32, #tpu.memory_space<vmem>>, vector<16xf32>,
      } {sc.loop_unroll_factor = 8 : i64, sc.parallel_access}
      %dma_start3A = arith.constant 0 : i32
      %dma_start3A_142 = arith.constant 0 : i32
      %dma_start3A_143 = tpu.memref_slice %arg13[%rem3A_98, %dma_start3A, %dma_start3A_142] : memref<2x12x512xf32, #tpu.memory_space<vmem>> -> memref<1x12x512xf32, #tpu.memory_space<vmem>>
      %dma_start3A_144 = tpu.memref_squeeze %dma_start3A_143 : memref<1x12x512xf32, #tpu.memory_space<vmem>> -> memref<12x512xf32, #tpu.memory_space<vmem>>
      %dma_start3A_145 = arith.constant 0 : i32
      %dma_start3A_146 = arith.constant 0 : i32
      %dma_start3A_147 = tpu.memref_slice %arg6[%select_n3A, %dma_start3A_145, %add3A_96, %dma_start3A_146] : memref<4x12x512x512xf32, #tpu.memory_space<hbm>> -> memref<1x12x1x512xf32, #tpu.memory_space<hbm>>
      %dma_start3A_148 = tpu.memref_squeeze %dma_start3A_147 : memref<1x12x1x512xf32, #tpu.memory_space<hbm>> -> memref<12x512xf32, #tpu.memory_space<hbm>>
      %dma_start3A_149 = arith.constant 0 : i32
      %dma_start3A_150 = arith.constant 0 : i32
      %dma_start3A_151 = tpu.memref_slice %arg6[%select_n3A, %dma_start3A_149, %add3A_96, %dma_start3A_150] : memref<4x12x512x512xf32, #tpu.memory_space<hbm>> -> memref<1x12x1x512xf32, #tpu.memory_space<hbm>>
      %dma_start3A_152 = tpu.memref_squeeze %dma_start3A_151 : memref<1x12x1x512xf32, #tpu.memory_space<hbm>> -> memref<12x512xf32, #tpu.memory_space<hbm>>
      %dma_start3A_153 = arith.constant 0 : i32
      %dma_start3A_154 = arith.constant 0 : i32
      %dma_start3A_155 = tpu.memref_slice %arg13[%rem3A_98, %dma_start3A_153, %dma_start3A_154] : memref<2x12x512xf32, #tpu.memory_space<vmem>> -> memref<1x12x512xf32, #tpu.memory_space<vmem>>
      %dma_start3A_156 = tpu.memref_squeeze %dma_start3A_155 : memref<1x12x512xf32, #tpu.memory_space<vmem>> -> memref<12x512xf32, #tpu.memory_space<vmem>>
      tpu.enqueue_dma source(%dma_start3A_156 : memref<12x512xf32, #tpu.memory_space<vmem>>) target(%dma_start3A_152 : memref<12x512xf32, #tpu.memory_space<hbm>>) target_semaphore(%arg14 : memref<!tpu.dma_semaphore, #tpu.memory_space<semaphore_mem>>)
    }
    %scan3A_57 = arith.constant 64 : i32
    %add3A_58 = arith.constant 62 : i32
    %add3A_59 = arith.addi %select_n3A_32, %add3A_58 : i32
    %dma_wait3A = arith.constant 0 : i32
    %dma_wait3A_60 = arith.constant 0 : i32
    %dma_wait3A_61 = arith.constant 0 : i32
    %dma_wait3A_62 = tpu.memref_slice %arg13[%dma_wait3A, %dma_wait3A_60, %dma_wait3A_61] : memref<2x12x512xf32, #tpu.memory_space<vmem>> -> memref<1x12x512xf32, #tpu.memory_space<vmem>>
    %dma_wait3A_63 = tpu.memref_squeeze %dma_wait3A_62 : memref<1x12x512xf32, #tpu.memory_space<vmem>> -> memref<12x512xf32, #tpu.memory_space<vmem>>
    %dma_wait3A_64 = arith.constant 0 : i32
    %dma_wait3A_65 = arith.constant 0 : i32
    %dma_wait3A_66 = tpu.memref_slice %arg6[%select_n3A, %dma_wait3A_64, %add3A_59, %dma_wait3A_65] : memref<4x12x512x512xf32, #tpu.memory_space<hbm>> -> memref<1x12x1x512xf32, #tpu.memory_space<hbm>>
    %dma_wait3A_67 = tpu.memref_squeeze %dma_wait3A_66 : memref<1x12x1x512xf32, #tpu.memory_space<hbm>> -> memref<12x512xf32, #tpu.memory_space<hbm>>
    %dma_wait3A_68 = arith.constant 0 : i32
    %dma_wait3A_69 = arith.constant 0 : i32
    %dma_wait3A_70 = tpu.memref_slice %arg6[%select_n3A, %dma_wait3A_68, %add3A_59, %dma_wait3A_69] : memref<4x12x512x512xf32, #tpu.memory_space<hbm>> -> memref<1x12x1x512xf32, #tpu.memory_space<hbm>>
    %dma_wait3A_71 = tpu.memref_squeeze %dma_wait3A_70 : memref<1x12x1x512xf32, #tpu.memory_space<hbm>> -> memref<12x512xf32, #tpu.memory_space<hbm>>
    %dma_wait3A_72 = arith.constant 0 : i32
    %dma_wait3A_73 = arith.constant 0 : i32
    %dma_wait3A_74 = tpu.memref_slice %arg13[%dma_wait3A, %dma_wait3A_72, %dma_wait3A_73] : memref<2x12x512xf32, #tpu.memory_space<vmem>> -> memref<1x12x512xf32, #tpu.memory_space<vmem>>
    %dma_wait3A_75 = tpu.memref_squeeze %dma_wait3A_74 : memref<1x12x512xf32, #tpu.memory_space<vmem>> -> memref<12x512xf32, #tpu.memory_space<vmem>>
    tpu.wait_dma2 semaphore(%arg14 : memref<!tpu.dma_semaphore, #tpu.memory_space<semaphore_mem>>) src(%dma_wait3A_75 : memref<12x512xf32, #tpu.memory_space<vmem>>) dst(%dma_wait3A_71 : memref<12x512xf32, #tpu.memory_space<hbm>>)
    %add3A_76 = arith.constant 63 : i32
    %add3A_77 = arith.addi %select_n3A_32, %add3A_76 : i32
    %dma_wait3A_78 = arith.constant 1 : i32
    %dma_wait3A_79 = arith.constant 0 : i32
    %dma_wait3A_80 = arith.constant 0 : i32
    %dma_wait3A_81 = tpu.memref_slice %arg13[%dma_wait3A_78, %dma_wait3A_79, %dma_wait3A_80] : memref<2x12x512xf32, #tpu.memory_space<vmem>> -> memref<1x12x512xf32, #tpu.memory_space<vmem>>
    %dma_wait3A_82 = tpu.memref_squeeze %dma_wait3A_81 : memref<1x12x512xf32, #tpu.memory_space<vmem>> -> memref<12x512xf32, #tpu.memory_space<vmem>>
    %dma_wait3A_83 = arith.constant 0 : i32
    %dma_wait3A_84 = arith.constant 0 : i32
    %dma_wait3A_85 = tpu.memref_slice %arg6[%select_n3A, %dma_wait3A_83, %add3A_77, %dma_wait3A_84] : memref<4x12x512x512xf32, #tpu.memory_space<hbm>> -> memref<1x12x1x512xf32, #tpu.memory_space<hbm>>
    %dma_wait3A_86 = tpu.memref_squeeze %dma_wait3A_85 : memref<1x12x1x512xf32, #tpu.memory_space<hbm>> -> memref<12x512xf32, #tpu.memory_space<hbm>>
    %dma_wait3A_87 = arith.constant 0 : i32
    %dma_wait3A_88 = arith.constant 0 : i32
    %dma_wait3A_89 = tpu.memref_slice %arg6[%select_n3A, %dma_wait3A_87, %add3A_77, %dma_wait3A_88] : memref<4x12x512x512xf32, #tpu.memory_space<hbm>> -> memref<1x12x1x512xf32, #tpu.memory_space<hbm>>
    %dma_wait3A_90 = tpu.memref_squeeze %dma_wait3A_89 : memref<1x12x1x512xf32, #tpu.memory_space<hbm>> -> memref<12x512xf32, #tpu.memory_space<hbm>>
    %dma_wait3A_91 = arith.constant 0 : i32
    %dma_wait3A_92 = arith.constant 0 : i32
    %dma_wait3A_93 = tpu.memref_slice %arg13[%dma_wait3A_78, %dma_wait3A_91, %dma_wait3A_92] : memref<2x12x512xf32, #tpu.memory_space<vmem>> -> memref<1x12x512xf32, #tpu.memory_space<vmem>>
    %dma_wait3A_94 = tpu.memref_squeeze %dma_wait3A_93 : memref<1x12x512xf32, #tpu.memory_space<vmem>> -> memref<12x512xf32, #tpu.memory_space<vmem>>
    tpu.wait_dma2 semaphore(%arg14 : memref<!tpu.dma_semaphore, #tpu.memory_space<semaphore_mem>>) src(%dma_wait3A_94 : memref<12x512xf32, #tpu.memory_space<vmem>>) dst(%dma_wait3A_90 : memref<12x512xf32, #tpu.memory_space<hbm>>)
    return
  }
}

</mosaic_0001>

<sc_bundles>
// kernel: _slice_sc.3.cloned.1.call-start
scs
__scs_entry_jumppad:
0x0: {  	(pc) =	sbr.rel $0x88, $3  }
0x1: {  	(tag) =	ssettag $0x0;
	lr =	simm.s32 $0x1  }
0x2: {  	[smem:$0x3F9D] =	sst lr;
	_ =	strace $0xD0000000  }
0x3: {  	_ = 	snop  }
0x4: {  	_ = 	snop  }
0x5: {  	_ = 	snop  }
0x6: {  	_ = 	snop  }
0x7: {  	_ = 	snop  }
__scs_overlays_trampoline_lowered:
0x8: {  	[smem:$0x3FAC] =	sst s0  }
0x9: {  	[smem:$0x3FAD] =	sst s1  }
0xa: {  	[smem:$0x3FAE] =	sst s2  }
0xb: {  	[smem:$0x3FAF] =	sst s3  }
0xc: {  	[smem:$0x3FB0] =	sst s4  }
0xd: {  	[smem:$0x3FB1] =	sst s5  }
0xe: {  	[smem:$0x3FB2] =	sst s6  }
0xf: {  	[smem:$0x3FB3] =	sst s7  }
0x10: {  	[smem:$0x3FB4] =	sst s8  }
0x11: {  	[smem:$0x3FB5] =	sst s9;
	s0 =	simm.s32 @!p0 $0x0  }
0x12: {  	s1 =	sld [smem:$0x3F9B];
	s0 =	simm.s32 @p0 $0x1  }
0x13: {  	[smem:$0x3FB6] =	sst s0;
	s0 =	simm.s32 @!p1 $0x0  }
0x14: {  	s2 =	sld [smem:$0x3F9A];
	s0 =	simm.s32 @p1 $0x1  }
0x15: {  	[smem:$0x3FB7] =	sst s0;
	s0 =	simm.s32 @!p2 $0x0  }
0x16: {  	s3 =	sld [smem:$0x3FDB];
	s0 =	simm.s32 @p2 $0x1  }
0x17: {  	s4 =	simm.s32 $0x1BF5;
	[smem:$0x3FB9] =	sst s0  }
0x18: {  	s0 =	sld [smem:$0x3F9C];
	_ =	swait.ge [sflag:s4], $0x0  }
0x19: {  	s7 =	sld [smem:$0x3F9D]  }
0x1a: {  	s8 =	sadd.s32 $0xFFFFE003, lr  }
0x1b: {  	s9 =	sadd.s32 $0xFFFFFEF7, lr;
	s5 =	simm.s32 $0xFFFFFFFF;
	p2 =	slt.u32 s8, $0xFFFFF086  }
0x1c: {  	p1 =	slt.u32 s9, $0xF7A;
	s5 =	simm.s32 @!p2 $0x0  }
0x1d: {  	s5 =	simm.s32 @p1 $0x1;
	p0 =	seq.s32 s7, s2  }
0x1e: {  	s7 =	smul.u32 @!p0 $0xF7A, s2;
	p2 =	seq.s32 @!p0 s5, $0x0  }
0x1f: {  	s9 =	smul.u32 $0xF7A, s1;
	s8 =	simm.s32 @!p0 $0x1BF5;
	p2 =	por !p2, p0  }
0x20: {  	[sflag:s8] =	ssyncset.s32 @!p0 $0xFFFFF086;
	s6 =	sadd.s32 @!p0 s3, s7;
	s7 =	simm.s32 @!p0 $0x108  }
0x21: {  	s3 =	sadd.s32 s3, s9;
	s6 =	sadd.s32 @!p0 $0x88, s6;
	s7 =	simm.s32 @p2 $0x1082  }
0x22: {  	[simem:s7], [sflag:s8] =	dma.local @!p0 [hbm:s6], $0xF7A  }
0x23: {  	s9 =	sor.u32 $0xD0000000, s2;
	s6 =	simm.s32 $0x108;
	_ =	swait.ge @!p0 [sflag:s8], $0x0  }
0x24: {  	s3 =	sadd.s32 $0x88, s3;
	s6 =	simm.s32 @!p1 $0x1082;
	[sflag:s4] =	ssyncset.s32 $0xFFFFF086  }
0x25: {  	[simem:s6], [sflag:s4] =	dma.local [hbm:s3], $0xF7A  }
0x26: {  	[smem:$0x3F9D] =	sst s1;
	(tag) =	ssettag s2;
	_ =	strace s9  }
0x27: {  	s1 =	sld [smem:$0x3FAD]  }
0x28: {  	s2 =	sld [smem:$0x3FAE]  }
0x29: {  	s4 =	sld [smem:$0x3FB0]  }
0x2a: {  	p0 =	seq.s32 s5, $0x0;
	s5 =	sld [smem:$0x3FB1]  }
0x2b: {  	s6 =	sld [smem:$0x3FB2]  }
0x2c: {  	s7 =	sld [smem:$0x3FB3]  }
0x2d: {  	s3 =	simm.s32 $0x108;
	s8 =	sld [smem:$0x3FB4]  }
0x2e: {  	s3 =	simm.s32 @!p0 $0x1082;
	s9 =	sld [smem:$0x3FB5]  }
0x2f: {  	lr =	sadd.s32 s0, s3;
	s0 =	sld [smem:$0x3FAC]  }
0x30: {  	s3 =	sld [smem:$0x3FAF]  }
0x31: {  	[smem:$0x3FB8] =	sst s10  }
0x32: {  	s10 =	sld [smem:$0x3FB6];
	_ =	sdelay $0x3  }
0x33: {  	p0 =	seq.s32 s10, $0x1;
	s10 =	sld [smem:$0x3FB8];
	_ =	sdelay $0x3  }
0x34: {  	[smem:$0x3FB8] =	sst s10  }
0x35: {  	s10 =	sld [smem:$0x3FB7];
	_ =	sdelay $0x3  }
0x36: {  	p1 =	seq.s32 s10, $0x1;
	s10 =	sld [smem:$0x3FB8];
	_ =	sdelay $0x3  }
0x37: {  	[smem:$0x3FB8] =	sst s10  }
0x38: {  	s10 =	sld [smem:$0x3FB9]  }
0x39: {  	_ = 	snop;
	(pc) =	sbr.ind lr, $3  }
0x3a: {  	_ = 	snop  }
0x3b: {  	_ = 	snop  }
0x3c: {  	p2 =	seq.s32 s10, $0x1;
	s10 =	sld [smem:$0x3FB8]  }
0x3d: {  	_ =	shalt  }
0x3e: {  	_ =	shalt  }
0x3f: {  	_ =	shalt  }
0x40: {  	_ =	shalt  }
0x41: {  	_ =	shalt  }
0x42: {  	_ =	shalt  }
0x43: {  	_ =	shalt  }
0x44: {  	_ =	shalt  }
0x45: {  	_ =	shalt  }
0x46: {  	_ =	shalt  }
0x47: {  	_ =	shalt  }
0x48: {  	_ =	shalt  }
0x49: {  	_ =	shalt  }
0x4a: {  	_ =	shalt  }
0x4b: {  	_ =	shalt  }
0x4c: {  	_ =	shalt  }
0x4d: {  	_ =	shalt  }
0x4e: {  	_ =	shalt  }
0x4f: {  	_ =	shalt  }
0x50: {  	_ =	shalt  }
0x51: {  	_ =	shalt  }
0x52: {  	_ =	shalt  }
0x53: {  	_ =	shalt  }
0x54: {  	_ =	shalt  }
0x55: {  	_ =	shalt  }
0x56: {  	_ =	shalt  }
0x57: {  	_ =	shalt  }
0x58: {  	_ =	shalt  }
0x59: {  	_ =	shalt  }
0x5a: {  	_ =	shalt  }
0x5b: {  	_ =	shalt  }
0x5c: {  	_ =	shalt  }
0x5d: {  	_ =	shalt  }
0x5e: {  	_ =	shalt  }
0x5f: {  	_ =	shalt  }
0x60: {  	_ =	shalt  }
0x61: {  	_ =	shalt  }
0x62: {  	_ =	shalt  }
0x63: {  	_ =	shalt  }
0x64: {  	_ =	shalt  }
0x65: {  	_ =	shalt  }
0x66: {  	_ =	shalt  }
0x67: {  	_ =	shalt  }
0x68: {  	_ =	shalt  }
0x69: {  	_ =	shalt  }
0x6a: {  	_ =	shalt  }
0x6b: {  	_ =	shalt  }
0x6c: {  	_ =	shalt  }
0x6d: {  	_ =	shalt  }
0x6e: {  	_ =	shalt  }
0x6f: {  	_ =	shalt  }
0x70: {  	_ =	shalt  }
0x71: {  	_ =	shalt  }
0x72: {  	_ =	shalt  }
0x73: {  	_ =	shalt  }
0x74: {  	_ =	shalt  }
0x75: {  	_ =	shalt  }
0x76: {  	_ =	shalt  }
0x77: {  	_ =	shalt  }
0x78: {  	_ =	shalt  }
0x79: {  	_ =	shalt  }
0x7a: {  	_ =	shalt  }
0x7b: {  	_ =	shalt  }
0x7c: {  	_ =	shalt  }
0x7d: {  	_ =	shalt  }
0x7e: {  	_ =	shalt  }
0x7f: {  	_ =	shalt  }
0x80: {  	_ =	shalt  }
0x81: {  	_ =	shalt  }
0x82: {  	_ =	shalt  }
0x83: {  	_ =	shalt  }
0x84: {  	_ =	shalt  }
0x85: {  	_ =	shalt  }
0x86: {  	_ =	shalt  }
0x87: {  	_ =	shalt  }
.Lfunc_end0:
.L_simem_size_0:
called_computation_lowered:
.L_overlay_start_0:
0x88: {  	s2 =	sld [smem:$0x3FD9]  }
0x89: {  	s3 =	sld [smem:$0x3FFE];
	_ =	sdelay $0x1  }
0x8a: {  	s1 =	srdreg.scid  }
0x8b: {  	s0 =	sand.u32 $0x1, s1  }
0x8c: {  	s18 =	sshll.u32 s0, $0xA;
	s2 =	sadd.s32 s3, s2  }
0x8d: {  	s2 =	sadd.s32 s2, s18  }
0x8e: {  	[smem:$0x3FC4] =	sst s2  }
0x8f: {  	_ = 	snop  }
0x90: {  	s2 =	sld [smem:$0x3FC9]  }
0x91: {  	s19 =	sld [smem:$0x3FC8]  }
0x92: {  	s4 =	sld [smem:$0x3FC7]  }
0x93: {  	s5 =	sld [smem:$0x3FC6]  }
0x94: {  	s6 =	sld [smem:$0x3FD0];
	(tm) =	ssettm $0x1  }
0x95: {  	s7 =	sld [smem:$0x3FFB];
	_ =	sdelay $0x3  }
0x96: {  	_ =	strace s7  }
0x97: {  	s7 =	sld [smem:$0x3FFC];
	_ =	sdelay $0x3  }
0x98: {  	_ =	strace s7  }
0x99: {  	s7 =	sld [smem:$0x3FFD];
	_ =	sdelay $0x3  }
0x9a: {  	_ =	strace s7  }
0x9b: {  	_ =	strace $0x8FFFFFFF  }
0x9c: {  	s20 =	sld [smem:$0x3FDB];
	_ =	sdelay $0x1  }
0x9d: {  	s8 =	simm.s32 $_scs_section_size  }
0x9e: {  	s9 =	simm.s32 $_size__tile_overlayer_lowered;
	s10 =	simm.s32 $_tile_overlayer_lowered  }
0x9f: {  	s23 =	simm.s32 $0x1BFF;
	s22 =	sshll.u32 s10, $0x1;
	s7 =	sadd.s32 s8, s20  }
0xa0: {  	s11 =	simm.s32 $0x0;
	s21 =	sshll.u32 s9, $0x1;
	s9 =	sadd.s32 s22, s7  }
0xa1: {  	[timem:s11], [sflag:s23] =	dma.local [hbm:s9], s21  }
0xa2: {  	_ =	swait.ge [sflag:s23], s21  }
0xa3: {  	s8 =	ssub.s32 $0x0, s21;
	[sflag:s23] =	ssyncset.done $0x0  }
0xa4: {  	[sflag:s23] =	ssyncadd.s32 s8;
	_ =	sdelay $0x1  }
0xa5: {  	s24 =	simm.s32 $0x1B8B  }
0xa6: {  	_ =	swait.ge [sflag:s24], $0x1  }
0xa7: {  	[sflag:s24] =	ssyncset.done $0x0  }
0xa8: {  	s25 =	simm.s32 $0x1B8E;
	[sflag:s24] =	ssyncadd.s32 $0xFFFFFFFF  }
0xa9: {  	s26 =	simm.s32 $execute0_lowered;
	[smem:$0x3FD2] =	sst s25  }
0xaa: {  	s8 =	sshll.u32 s26, $0x1;
	_ =	strace $0x80000046;
	[dreg:$0x1] =	wrdreg $0xFFFFFFFF  }
0xab: {  	s28 =	simm.s32 $_size_execute0_lowered;
	s7 =	sadd.s32 s7, s8;
	[dreg:$0x0] =	wrdreg $0x0  }
0xac: {  	s8 =	sshll.u32 s28, $0x1;
	[dreg:$0x2] =	wrdreg s7  }
0xad: {  	[dreg:$0x3] =	wrdreg s8  }
0xae: {  	[dreg:$0x4] =	wrdreg $0xC0  }
0xaf: {  	_ =	task [dreg:s11], $0x5FFFF  }
0xb0: {  	[dreg:$0x1] =	wrdreg $0xFFFFFFFF  }
0xb1: {  	[dreg:$0x0] =	wrdreg $0x60  }
0xb2: {  	[dreg:$0x2] =	wrdreg s2  }
0xb3: {  	[dreg:$0x3] =	wrdreg s19  }
0xb4: {  	[dreg:$0x4] =	wrdreg s4  }
0xb5: {  	[dreg:$0x5] =	wrdreg s5  }
0xb6: {  	[dreg:$0x6] =	wrdreg s6  }
0xb7: {  	[dreg:$0x7] =	wrdreg $0x9  }
0xb8: {  	_ =	task.clear_ibuf [dreg:s11], $0x8FFFF;
	_ =	strace $0x90000046  }
0xb9: {  	s29 =	simm.s32 $0x9;
	_ =	strace $0x80000048  }
0xba: {  	_ =	swait.ge [sflag:s29], $0x1  }
0xbb: {  	[sflag:s29] =	ssyncadd.s32 $0xFFFFFFFF  }
0xbc: {  	_ =	strace $0x90000048  }
0xbd: {  	_ =	sfence  }
0xbe: {  	s30 =	sld [smem:$0x0];
	_ =	sdelay $0x2  }
0xbf: {  	s31 =	sshll.u32 s1, $0xD;
	s1 =	sshrl.u32 s1, $0x2  }
0xc0: {  	s3 =	sand.u32 $0x4000, s31;
	s1 =	sadd.s32 s1, s30  }
0xc1: {  	s0 =	sor.u32 s3, s0;
	s1 =	sshll.u32 s1, $0x11  }
0xc2: {  	s0 =	sor.u32 s1, s0  }
0xc3: {  	s0 =	sadd.s32 $0x8F2B, s0  }
0xc4: {  	[sflag:s0] =	ssyncadd.remote.s32 $0x1  }
0xc5: {  	_ =	sfence.sel $0xFFFF  }
0xc6: {  	[dreg:$0x0] =	wrdreg $0xFFFFFFFF;
	(pc) =	sbr.abs _section_cstart, $3  }
0xc7: {  	[dreg:$0x1] =	wrdreg $0xFFFFFFFF  }
0xc8: {  	_ =	task.clear_ibuf [dreg:s11], $0x2FFFF;
	_ =	strace $0x9FFFFFFF  }
0xc9: {  	(tm) =	ssettm $0x7FFFFFFF  }
tec
execute0_lowered:
.L_overlay_start_1:
0x0: {  	(tag) =	ssettag $0x1  }
0x1: {  	vm0 =	vcmask $0x300;
	v0 =	vimm.s32 $0x701  }
0x2: {  	s0 =	rddreg [dreg:$0x0];
	vm1 =	vcmask $0x704;
	v1 =	vsel vm0, $0x0, v0  }
0x3: {  	s1 =	rddreg [dreg:$0x1];
	s2 =	srdreg.scid;
	vm2 =	vcmask $0xB08;
	vm3 =	vcmask $0xF0C;
	v1 =	vsel vm1, $0x100, v1  }
0x4: {  	s3 =	simm.s32 $0x0;
	vm4 =	vcmask $0x1310;
	s21 =	stileid.u32;
	s14 =	simm.s32 $0x80;
	v0 =	vsel vm0, $0x100, v0;
	v1 =	vsel vm2, $0x200, v1  }
0x5: {  	vm5 =	vcmask $0x1714;
	s18 =	simm.s32 $0x14400;
	s19 =	simm.s32 $0x14480;
	s20 =	simm.s32 $0x14500;
	v0 =	vsel vm1, $0x200, v0;
	v1 =	vsel vm3, $0x300, v1  }
0x6: {  	vm6 =	vcmask $0x1B18;
	s28 =	simm.s32 $0x14880;
	s29 =	simm.s32 $0x14900;
	s30 =	simm.s32 $0x14980;
	v0 =	vsel vm2, $0x300, v0;
	v1 =	vsel vm4, $0x400, v1  }
0x7: {  	vm7 =	vcmask $0x1F1C;
	s31 =	simm.s32 $0x40000;
	s2 =	sand.u32 $0x1, s2;
	[smem:$0x7FF] =	sst s3;
	v0 =	vsel vm3, $0x400, v0;
	v1 =	vsel vm5, $0x500, v1  }
0x8: {  	vm8 =	vcmask $0x2320;
	s7 =	sshll.u32 s21, $0x7;
	s8 =	sshrl.u32 s21, $0x2;
	s21 =	simm.s32 $0x14580;
	v0 =	vsel vm4, $0x500, v0;
	v1 =	vsel vm6, $0x600, v1  }
0x9: {  	vm9 =	vcmask $0x1F18;
	s5 =	ssub.s32 $0x2, s2;
	_ =	strace $0x80000047;
	s2 =	sshll.u32 s2, $0x6;
	v0 =	vsel vm5, $0x600, v0;
	v1 =	vsel vm7, $0x700, v1  }
0xa: {  	vm10 =	vcmask $0x2724;
	s22 =	sshll.u32 s8, $0x4;
	s25 =	smul.u32 $0x300000, s8;
	s6 =	sshrl.u32 s5, $0x1;
	v0 =	vsel vm9, $0x700, v0;
	v1 =	vsel vm8, $0x1, v1  }
0xb: {  	vm11 =	vcmask $0x2B28;
	s2 =	sor.u32 s2, s7;
	s0 =	sadd.s32 s0, s22;
	s22 =	simm.s32 $0x14600;
	v0 =	vsel vm8, $0x101, v0;
	v1 =	vsel vm10, $0x101, v1  }
0xc: {  	vm12 =	vcmask $0x2F2C;
	s5 =	ssub.s32 s5, s6;
	s23 =	sand.u32 $0x1C0, s2;
	[dreg:$0x7] =	wrdreg s0;
	v0 =	vsel vm10, $0x201, v0;
	v1 =	vsel vm11, $0x201, v1  }
0xd: {  	vm13 =	vcmask $0x3330;
	s24 =	sshll.u32 s2, $0x6;
	[dreg:$0x9] =	wrdreg s25;
	s25 =	simm.s32 $0x14780;
	v0 =	vsel vm11, $0x301, v0;
	v1 =	vsel vm12, $0x301, v1  }
0xe: {  	vm14 =	vcmask $0x3734;
	s2 =	simm.s32 $0x0;
	[dreg:$0x6] =	wrdreg s23;
	s0 =	sadd.s32 s1, s24;
	v0 =	vsel vm12, $0x401, v0;
	v1 =	vsel vm13, $0x401, v1  }
0xf: {  	vm15 =	vcmask $0x3B38;
	s26 =	smax.u32 s5, $0x1;
	s23 =	simm.s32 $0x14680;
	[dreg:$0x8] =	wrdreg s0;
	v2 =	vsel vm13, $0x501, v0;
	v1 =	vsel vm14, $0x501, v1  }
0x10: {  	s24 =	simm.s32 $0x14700;
	[dreg:$0xa] =	wrdreg s26;
	s26 =	simm.s32 $0x14800;
	v0 =	vsel vm15, $0x601, v1;
	v1 =	vsel vm14, $0x601, v2  }
.LBB2_1:
0x11: {  	[dreg:$0xb] =	wrdreg s2  }
0x12: {  	s0 =	rddreg [dreg:$0x2]  }
0x13: {  	s6 =	simm.s32 $0x0;
	s1 =	simm.s32 $0x14000;
	s3 =	simm.s32 $0x2  }
0x14: {  	[tilespmem:s1], [sflag:$0x2] =	stream.linear.gather [hbm4b:s0+s6], $0x200, $0x38;
	[tilespmem:$0x18A00] =	vst v63  }
0x15: {  	_ =	swait.ge [sflag:s3], $0x200  }
0x16: {  	[sflag:s3] =	ssyncset.done $0x0  }
0x17: {  	[sflag:s3] =	ssyncadd.s32 $0xFFFFFE00  }
0x18: {  	s8 =	simm.s32 $0x14200;
	s7 =	rddreg [dreg:$0x3]  }
0x19: {  	[tilespmem:s8], [sflag:$0x2] =	stream.linear.gather [hbm4b:s7+s6], $0x200, $0x38;
	[tilespmem:$0x18A00] =	vst v63  }
0x1a: {  	_ =	swait.ge [sflag:s3], $0x200  }
0x1b: {  	s10 =	simm.s32 $0x200;
	s11 =	sand.u32 $0x7800, s6;
	[sflag:s3] =	ssyncset.done $0x0  }
0x1c: {  	s12 =	sand.u32 $0xF0, s6;
	s9 =	rddreg [dreg:$0x7];
	[sflag:s3] =	ssyncadd.s32 $0xFFFFFE00  }
0x1d: {  	[tilespmem:s6], [sflag:$0x2] =	stream.strided.gather [hbm4b:s9+s14], $0x6000, s10, s14, $0x38;
	[tilespmem:$0x18A00] =	vst v63  }
0x1e: {  	s5 =	sor.u32 s12, s11;
	_ =	swait.ge [sflag:s3], $0x6000  }
0x1f: {  	s4 =	simm.s32 $0xC000;
	s0 =	sor.u32 $0xE, s5;
	[sflag:s3] =	ssyncset.done $0x0  }
0x20: {  	s15 =	sor.u32 $0x2, s5;
	v2 =	vor.u32 s0, v0;
	s13 =	rddreg [dreg:$0x8];
	[sflag:s3] =	ssyncadd.s32 $0xFFFFA000  }
0x21: {  	v3 =	vor.u32 s0, v1;
	[tilespmem:s4], [sflag:$0x2] =	stream.linear.gather [hbm4b:s13+s6], $0x8000, $0x38;
	[tilespmem:$0x18A00] =	vst v63  }
0x22: {  	v4 =	vor.u32 s15, v0;
	_ =	swait.ge [sflag:s3], $0x8000  }
0x23: {  	s16 =	sor.u32 $0x4, s5;
	v5 =	vor.u32 s15, v1;
	[sflag:s3] =	ssyncset.done $0x0  }
0x24: {  	v6 =	vor.u32 s16, v0;
	[sflag:s3] =	ssyncadd.s32 $0xFFFF8000  }
0x25: {  	s17 =	sor.u32 $0x6, s5;
	v7 =	vor.u32 s16, v1;
	v16 =	vld.idx.msk [tilespmem:v2+s6+$0x0], $0xffff  }
0x26: {  	v8 =	vor.u32 s17, v0;
	v17 =	vld.idx.msk [tilespmem:v3+s6+$0x0], $0xffff  }
0x27: {  	v10 =	vor.u32 s17, v1;
	s7 =	sor.u32 $0x8, s5;
	v14 =	vld.idx.msk [tilespmem:v4+s6+$0x0], $0xffff  }
0x28: {  	v12 =	vor.u32 s7, v0;
	v15 =	vld.idx.msk [tilespmem:v5+s6+$0x0], $0xffff  }
0x29: {  	s8 =	sor.u32 $0xA, s5;
	v13 =	vor.u32 s7, v1;
	v4 =	vld.idx.msk [tilespmem:v6+s6+$0x0], $0xffff  }
0x2a: {  	v11 =	vor.u32 s8, v0;
	v5 =	vld.idx.msk [tilespmem:v7+s6+$0x0], $0xffff  }
0x2b: {  	s1 =	simm.s32 $0x0;
	s0 =	simm.s32 $0x6040;
	v9 =	vor.u32 s8, v1;
	v2 =	vor.u32 s5, v0;
	v3 =	vor.u32 s5, v1;
	s5 =	sor.u32 $0xC, s5;
	v7 =	vld.idx.msk [tilespmem:v8+s6+$0x0], $0xffff  }
0x2c: {  	s7 =	simm.s32 $0x80;
	s8 =	simm.s32 $0x10;
	v10 =	vld.idx.msk [tilespmem:v10+s6+$0x0], $0xffff;
	v8 =	vor.u32 s5, v0;
	v6 =	vor.u32 s5, v1;
	s5 =	simm.s32 $0x0;
	v16 =	vpack.i.f32.bf16 v17, v16  }
.LBB2_2:
0x2d: {  	s10 =	sand.u32 $0x7800, s7;
	s11 =	sand.u32 $0xF0, s8;
	v17 =	vld.idx.msk [tilespmem:v12+s5+$0x0], $0xffff;
	[tilespmem:s0+$0x30] =	vst v16;
	p0 =	por $0x0, $0x0  }
0x2e: {  	s1 =	sadd.s32 $0x8, s1;
	v12 =	vpack.i.f32.bf16 v15, v14;
	s10 =	sor.u32 s11, s10;
	v14 =	vld.idx.msk [tilespmem:v13+s5+$0x0], $0xffff  }
0x2f: {  	p1 =	slt.u32 s1, $0x5F8;
	v15 =	vor.u32 s10, v0;
	v16 =	vor.u32 s10, v1;
	s11 =	sor.u32 $0x2, s10;
	s12 =	sor.u32 $0xE, s10;
	[tilespmem:s0+$0xFFFFFFD0] =	vst v12;
	v18 =	vld.idx.msk [tilespmem:v11+s5+$0x0], $0xffff  }
0x30: {  	s13 =	sor.u32 $0x6, s10;
	s15 =	sor.u32 $0x8, s10;
	v19 =	vor.u32 s11, v0;
	v20 =	vor.u32 s11, v1;
	s11 =	sor.u32 $0x4, s10;
	v21 =	vor.u32 s12, v0;
	v22 =	vld.idx.msk [tilespmem:v9+s5+$0x0], $0xffff  }
0x31: {  	v25 =	vor.u32 s12, v1;
	v23 =	vor.u32 s11, v0;
	v24 =	vor.u32 s11, v1;
	s11 =	sor.u32 $0xA, s10;
	s10 =	sor.u32 $0xC, s10;
	v26 =	vld.idx.msk [tilespmem:v8+s5+$0x0], $0xffff  }
0x32: {  	v27 =	vor.u32 s13, v0;
	v28 =	vor.u32 s13, v1;
	v12 =	vor.u32 s15, v0;
	v29 =	vld.idx.msk [tilespmem:v6+s5+$0x0], $0xffff  }
0x33: {  	v13 =	vor.u32 s15, v1;
	v11 =	vor.u32 s11, v0;
	v9 =	vor.u32 s11, v1;
	v30 =	vld.idx.msk [tilespmem:v2+s5+$0x0], $0xffff;
	v2 =	vmovc v15  }
0x34: {  	v4 =	vpack.i.f32.bf16 v5, v4;
	v8 =	vor.u32 s10, v0;
	v6 =	vor.u32 s10, v1;
	v31 =	vld.idx.msk [tilespmem:v3+s5+$0x0], $0xffff;
	s5 =	simm.s32 $0x0;
	v3 =	vmovc v16  }
0x35: {  	v5 =	vpack.i.f32.bf16 v14, v17;
	v16 =	vld.idx.msk [tilespmem:v21+s5+$0x0], $0xffff;
	[tilespmem:s0+$0xFFFFFFE0] =	vst v4;
	v4 =	vpack.i.f32.bf16 v10, v7  }
0x36: {  	v17 =	vld.idx.msk [tilespmem:v25+s5+$0x0], $0xffff;
	[tilespmem:s0+$0xFFFFFFF0] =	vst v4;
	v4 =	vpack.i.f32.bf16 v22, v18  }
0x37: {  	v14 =	vld.idx.msk [tilespmem:v19+s5+$0x0], $0xffff;
	[tilespmem:s0+$0x0] =	vst v5  }
.Ltmp0:
0x38: {  	v5 =	vpack.i.f32.bf16 v29, v26;
	v15 =	vld.idx.msk [tilespmem:v20+s5+$0x0], $0xffff;
	[tilespmem:s0+$0x10] =	vst v4;
	(pc) =	sbr.rel @p1 .LBB2_2-.Ltmp0, $4  }
0x39: {  	v4 =	vld.idx.msk [tilespmem:v23+s5+$0x0], $0xffff;
	[tilespmem:s0+$0x20] =	vst v5  }
0x3a: {  	v10 =	vpack.i.f32.bf16 v31, v30;
	v5 =	vld.idx.msk [tilespmem:v24+s5+$0x0], $0xffff  }
0x3b: {  	v7 =	vld.idx.msk [tilespmem:v27+s5+$0x0], $0xffff;
	[tilespmem:s0+$0xFFFFFFC0] =	vst v10  }
0x3c: {  	s7 =	sadd.s32 $0x80, s7;
	s8 =	sadd.s32 $0x10, s8;
	v16 =	vpack.i.f32.bf16 v17, v16;
	s0 =	sadd.s32 $0x80, s0;
	v10 =	vld.idx.msk [tilespmem:v28+s5+$0x0], $0xffff  }
0x3d: {  	_ =	sdelay $0x3  }
0x3e: {  	v12 =	vld.idx.msk [tilespmem:v12+s5+$0x0], $0xffff  }
0x3f: {  	v13 =	vld.idx.msk [tilespmem:v13+s5+$0x0], $0xffff  }
0x40: {  	v11 =	vld.idx.msk [tilespmem:v11+s5+$0x0], $0xffff  }
0x41: {  	v9 =	vld.idx.msk [tilespmem:v9+s5+$0x0], $0xffff  }
0x42: {  	v8 =	vld.idx.msk [tilespmem:v8+s5+$0x0], $0xffff  }
0x43: {  	v6 =	vld.idx.msk [tilespmem:v6+s5+$0x0], $0xffff  }
0x44: {  	[tilespmem:s0+$0x30] =	vst v16;
	v14 =	vpack.i.f32.bf16 v15, v14;
	v2 =	vld.idx.msk [tilespmem:v2+s5+$0x0], $0xffff  }
0x45: {  	v3 =	vld.idx.msk [tilespmem:v3+s5+$0x0], $0xffff;
	[tilespmem:s0+$0xFFFFFFD0] =	vst v14;
	v4 =	vpack.i.f32.bf16 v5, v4  }
0x46: {  	[tilespmem:s0+$0xFFFFFFE0] =	vst v4;
	v60 =	vpack.i.f32.bf16 v10, v7  }
0x47: {  	v61 =	vpack.i.f32.bf16 v13, v12;
	[tilespmem:s0+$0xFFFFFFF0] =	vst v60  }
0x48: {  	v62 =	vpack.i.f32.bf16 v9, v11;
	[tilespmem:s0+$0x0] =	vst v61  }
0x49: {  	v63 =	vpack.i.f32.bf16 v6, v8;
	[tilespmem:s0+$0x10] =	vst v62  }
0x4a: {  	v2 =	vpack.i.f32.bf16 v3, v2;
	[tilespmem:s0+$0x20] =	vst v63  }
0x4b: {  	s1 =	simm.s32 $0x0;
	[tilespmem:s0+$0xFFFFFFC0] =	vst v2;
	s0 =	simm.s32 $0x0  }
.LBB2_4:
0x4c: {  	s2 =	rddreg [dreg:$0x6]  }
0x4d: {  	s2 =	sor.u32 s2, s1  }
0x4e: {  	s7 =	scvt.s32.f32 s2;
	_ =	sdelay $0x1  }
0x4f: {  	s7 =	smul.f32 $1.956947150e-03, s7;
	_ =	sdelay $0x1  }
0x50: {  	s7 =	sadd.f32 s7, s7;
	_ =	sdelay $0x1  }
0x51: {  	s7 =	sadd.f32 $-1.000000000e+00, s7;
	_ =	sdelay $0x1  }
0x52: {  	s7 =	sadd.f32 $1.000000000e+00, s7;
	_ =	sdelay $0x1  }
0x53: {  	s7 =	smul.f32 $5.000000000e-01, s7;
	_ =	sdelay $0x1  }
0x54: {  	s7 =	smul.f32 $1.500000000e+01, s7;
	_ =	sdelay $0x1  }
0x55: {  	s7 =	smax.f32 s7, $0.0e+00  }
0x56: {  	s7 =	smin.f32 s7, $1.500000000e+01  }
0x57: {  	v2 =	vmov s7  }
0x58: {  	v2 =	vtrunc.f32 v2  }
0x59: {  	v2 =	vcvt.f32.s32 v2;
	_ =	sdelay $0x1  }
0x5a: {  	p1 =	slt.u32 s1, $0x2;
	vm0 =	vlt.s32 v2, $0xE  }
0x5b: {  	s8 =	simm.s32 @!p1 $0x1;
	[dreg:$0xc] =	wrdreg s2;
	v2 =	vnsel vm0, $0xE, v2  }
0x5c: {  	_ =	swait.ge @!p1 [sflag:s8], $0x1800;
	v3 =	vxor.u32 $0x80000000, v2  }
0x5d: {  	(xrf0) =	vmax.scan.msk.u32 $0xffff, v3;
	_ =	sdelay $0x5  }
0x5e: {  	v3, _, _ =	vpop (xrf0)  }
0x5f: {  	(v2sf) =	vpush v3, $0xF;
	_ =	sdelay $0xc  }
0x60: {  	s10 =	simm.s32 $0x1  }
0x61: {  	s10 =	simm.s32 @!p0 $0x0  }
0x62: {  	s13 =	sand.u32 $0x7, s5;
	s10 =	sshll.u32 s10, $0xD;
	s16 =	spop (v2sf)  }
0x63: {  	s15 =	sshll.u32 s13, $0x9;
	s13 =	sor.u32 $0x14A00, s10;
	s17 =	sshll.u32 s16, $0x9  }
0x64: {  	[sflag:s8] =	ssyncset.done @!p1 $0x0;
	s10 =	sshll.u32 s16, $0x7;
	s2 =	sshra.s32 s17, $0x2  }
0x65: {  	[sflag:s8] =	ssyncadd.s32 @!p1 $0xFFFFE800;
	s3 =	sadd.s32 $0x0, s10;
	s8 =	sadd.s32 $0x6040, s2  }
0x66: {  	s16 =	sadd.s32 $0x70, s3;
	v4 =	vld [tilespmem:s8+$0x30]  }
0x67: {  	s17 =	sadd.s32 $0x10, s3;
	s16 =	sand.u32 $0xFFFFFF80, s16;
	v6 =	vld [tilespmem:s8+$0x40]  }
0x68: {  	v2 =	vcvt.s32.f32 v2;
	s4 =	sadd.s32 $0x30, s3;
	s17 =	sand.u32 $0xFFFFFF80, s17;
	v5 =	vld [tilespmem:s16+$0x60F0]  }
0x69: {  	s12 =	sshll.u32 s0, $0x2;
	s6 =	sadd.s32 $0x20, s3;
	s4 =	sand.u32 $0xFFFFFF80, s4;
	v7 =	vld [tilespmem:s17+$0x6090]  }
0x6a: {  	s12 =	sand.u32 $0xFFFFC000, s12;
	v3 =	vsub.f32 s7, v2;
	s9 =	sadd.s32 $0x40, s3;
	s16 =	sand.u32 $0xFFFFFF80, s6;
	v11 =	vld [tilespmem:s4+$0x60B0]  }
0x6b: {  	s15 =	sor.u32 s15, s12;
	s12 =	sadd.s32 $0x60, s3;
	s17 =	sand.u32 $0xFFFFFF80, s9;
	v8 =	vld [tilespmem:s16+$0x60A0]  }
0x6c: {  	v2 =	vsub.f32 $1.000000000e+00, v3;
	s11 =	sadd.s32 $0x50, s3;
	s4 =	sand.u32 $0xFFFFFF80, s12;
	v12 =	vld [tilespmem:s17+$0x60C0]  }
0x6d: {  	s16 =	sand.u32 $0xFFFFFF80, s11;
	v17 =	vld [tilespmem:s4+$0x60E0]  }
0x6e: {  	v3 =	vpack.i.f32.bf16 v3, v3;
	v2 =	vpack.i.f32.bf16 v2, v2;
	v16 =	vld [tilespmem:s16+$0x60D0]  }
0x6f: {  	v15 =	vld [tilespmem:s8+$0xFFFFFFD0];
	v9 =	vmul.bf16 v4, v2;
	v5 =	vmul.bf16 v5, v3  }
0x70: {  	v14 =	vld [tilespmem:s8+$0xFFFFFFE0];
	v4 =	vmul.bf16 v6, v3  }
0x71: {  	s7 =	sshrl.u32 s15, $0x2;
	v13 =	vld [tilespmem:s8+$0xFFFFFFF0];
	v10 =	vmul.bf16 v7, v3;
	v7 =	vmul.bf16 v12, v3;
	v5 =	vadd.bf16 v5, v9  }
0x72: {  	s15 =	sadd.s32 $0xC040, s7;
	s7 =	simm.s32 $0x14440;
	v12 =	vld [tilespmem:s8+$0x0];
	v9 =	vmul.bf16 v8, v3;
	v8 =	vmul.bf16 v11, v3  }
0x73: {  	s12 =	simm.s32 $0x0;
	s16 =	simm.s32 $0x800;
	v6 =	vmul.bf16 v16, v3;
	v11 =	vld [tilespmem:s8+$0x10];
	[tilespmem:s7+$0x30] =	vst v5;
	v5 =	vmul.bf16 v17, v3  }
.LBB2_5:
0x74: {  	s4 =	sadd.s32 s16, s10;
	s12 =	sadd.s32 $0x8, s12;
	v15 =	vmul.bf16 v15, v2;
	v16 =	vld [tilespmem:s8+$0x20]  }
0x75: {  	s17 =	sadd.s32 $0x70, s4;
	p1 =	slt.u32 s12, $0x58;
	v17 =	vld [tilespmem:s8+$0xFFFFFFC0];
	v14 =	vmul.bf16 v14, v2;
	s8 =	sadd.s32 $0x800, s8  }
0x76: {  	s2 =	sadd.s32 $0x10, s4;
	s3 =	sadd.s32 $0x20, s4;
	v18 =	vld [tilespmem:s8+$0x30];
	s17 =	sand.u32 $0xFFFFFF80, s17;
	v10 =	vadd.bf16 v10, v15;
	v13 =	vmul.bf16 v13, v2  }
0x77: {  	s6 =	sadd.s32 $0x30, s4;
	s9 =	sadd.s32 $0x40, s4;
	s11 =	sadd.s32 $0x50, s4;
	v15 =	vld [tilespmem:s17+$0x60F0];
	v9 =	vadd.bf16 v9, v14;
	v12 =	vmul.bf16 v12, v2  }
0x78: {  	s4 =	sadd.s32 $0x60, s4;
	s2 =	sand.u32 $0xFFFFFF80, s2;
	s3 =	sand.u32 $0xFFFFFF80, s3;
	v14 =	vld [tilespmem:s8+$0x40];
	[tilespmem:s7+$0xFFFFFFD0] =	vst v10;
	v8 =	vadd.bf16 v8, v13;
	v10 =	vmul.bf16 v11, v2  }
0x79: {  	v11 =	vld [tilespmem:s2+$0x6090];
	s2 =	sand.u32 $0xFFFFFF80, s6;
	s6 =	sand.u32 $0xFFFFFF80, s9;
	s9 =	sand.u32 $0xFFFFFF80, s11;
	[tilespmem:s7+$0xFFFFFFE0] =	vst v9;
	v7 =	vadd.bf16 v7, v12;
	v9 =	vmul.bf16 v16, v2  }
0x7a: {  	v12 =	vld [tilespmem:s3+$0x60A0];
	s3 =	sand.u32 $0xFFFFFF80, s4;
	v13 =	vmul.bf16 v17, v2;
	[tilespmem:s7+$0xFFFFFFF0] =	vst v8;
	v6 =	vadd.bf16 v6, v10  }
0x7b: {  	v8 =	vld [tilespmem:s2+$0x60B0];
	[tilespmem:s7+$0x0] =	vst v7;
	v5 =	vadd.bf16 v5, v9  }
0x7c: {  	v9 =	vmul.bf16 v18, v2;
	v7 =	vld [tilespmem:s6+$0x60C0];
	v15 =	vmul.bf16 v15, v3;
	v13 =	vadd.bf16 v4, v13;
	[tilespmem:s7+$0x10] =	vst v6  }
0x7d: {  	v4 =	vmul.bf16 v14, v3;
	v6 =	vld [tilespmem:s9+$0x60D0];
	[tilespmem:s7+$0x20] =	vst v5  }
0x7e: {  	v10 =	vmul.bf16 v11, v3;
	v5 =	vld [tilespmem:s3+$0x60E0];
	v11 =	vadd.bf16 v15, v9;
	[tilespmem:s7+$0xFFFFFFC0] =	vst v13  }
.Ltmp1:
0x7f: {  	s7 =	sadd.s32 $0x80, s7;
	v15 =	vld [tilespmem:s8+$0xFFFFFFD0];
	v9 =	vmul.bf16 v12, v3;
	(pc) =	sbr.rel @p1 .LBB2_5-.Ltmp1, $4  }
0x80: {  	v14 =	vld [tilespmem:s8+$0xFFFFFFE0];
	v8 =	vmul.bf16 v8, v3;
	[tilespmem:s7+$0x30] =	vst v11  }
0x81: {  	v13 =	vld [tilespmem:s8+$0xFFFFFFF0];
	v7 =	vmul.bf16 v7, v3  }
0x82: {  	v12 =	vld [tilespmem:s8+$0x0];
	v6 =	vmul.bf16 v6, v3  }
0x83: {  	s16 =	sadd.s32 $0x800, s16;
	v11 =	vld [tilespmem:s8+$0x10];
	v5 =	vmul.bf16 v5, v3  }
0x84: {  	v3 =	vmul.bf16 v15, v2;
	v60 =	vld [tilespmem:s8+$0x20]  }
0x85: {  	v16 =	vld [tilespmem:s8+$0xFFFFFFC0];
	v14 =	vmul.bf16 v14, v2  }
0x86: {  	v3 =	vadd.bf16 v10, v3;
	v61 =	vmul.bf16 v13, v2  }
0x87: {  	v9 =	vadd.bf16 v9, v14;
	v12 =	vmul.bf16 v12, v2  }
0x88: {  	[tilespmem:s7+$0xFFFFFFD0] =	vst v3;
	v3 =	vadd.bf16 v8, v61;
	v62 =	vmul.bf16 v11, v2  }
0x89: {  	[tilespmem:s7+$0xFFFFFFE0] =	vst v9;
	v7 =	vadd.bf16 v7, v12;
	v63 =	vmul.bf16 v60, v2  }
0x8a: {  	v2 =	vmul.bf16 v16, v2;
	[tilespmem:s7+$0xFFFFFFF0] =	vst v3;
	v3 =	vadd.bf16 v6, v62  }
0x8b: {  	[tilespmem:s7+$0x0] =	vst v7;
	v5 =	vadd.bf16 v5, v63  }
0x8c: {  	s16 =	sshll.u32 s1, $0xD;
	s17 =	sshll.u32 s1, $0x7;
	v2 =	vadd.bf16 v4, v2;
	[tilespmem:s7+$0x10] =	vst v3  }
0x8d: {  	s10 =	simm.s32 $0xFFFFFFF8;
	s12 =	simm.s32 $0x14040;
	s16 =	sand.u32 $0x2000, s16;
	[tilespmem:s7+$0x20] =	vst v5  }
0x8e: {  	s8 =	sand.u32 $0x380, s17;
	s17 =	simm.s32 $0x14240;
	[tilespmem:s7+$0xFFFFFFC0] =	vst v2;
	s7 =	sor.u32 $0x14A00, s16  }
.LBB2_7:
0x8f: {  	v2 =	vld [tilespmem:s15+$0xFFFFFFC0];
	_ =	sdelay $0x4  }
0x90: {  	v2 =	vadd.f32 $1.000000000e+00, v2;
	_ =	sdelay $0x1  }
0x91: {  	v2 =	vmul.f32 $3.500000000e+00, v2;
	_ =	sdelay $0x1  }
0x92: {  	v2 =	vmax.f32 v2, $0.0e+00  }
0x93: {  	v2 =	vmin.f32 v2, $7.000000000e+00  }
0x94: {  	v3 =	vld [tilespmem:s17+$0xFFFFFFC0];
	v4 =	vtrunc.f32 v2  }
0x95: {  	v4 =	vcvt.f32.s32 v4;
	_ =	sdelay $0x1  }
0x96: {  	vm0 =	vlt.s32 v4, $0x6  }
0x97: {  	v4 =	vnsel vm0, $0x6, v4  }
0x98: {  	v5 =	vld [tilespmem:s12+$0xFFFFFFC0];
	v13 =	vadd.s32 v3, v4  }
0x99: {  	v3 =	vcvt.s32.f32 v4;
	v8 =	vadd.s32 $0x8, v13;
	_ =	sdelay $0x1  }
0x9a: {  	v2 =	vsub.f32 v2, v3;
	_ =	sdelay $0x1  }
0x9b: {  	v40 =	vsub.f32 $1.000000000e+00, v5;
	v3 =	vsub.f32 $1.000000000e+00, v2;
	v6 =	vld.idx.msk [tilespmem:v13+s18+$0x0], $0xffff  }
0x9c: {  	v7 =	vld.idx.msk [tilespmem:v8+s18+$0x0], $0xffff  }
0x9d: {  	v4 =	vmul.f32 v2, v40;
	v9 =	vmul.f32 v3, v40  }
0x9e: {  	v3 =	vmul.f32 v3, v5;
	v5 =	vmul.f32 v2, v5;
	_ =	sdelay $0x1  }
0x9f: {  	v2 =	vpack.i.f32.bf16 v4, v9;
	v3 =	vpack.i.f32.bf16 v5, v3  }
0xa0: {  	v4 =	vmul.bf16 v6, v2;
	v5 =	vmul.bf16 v7, v3;
	_ =	sdelay $0x1  }
0xa1: {  	v4 =	vadd.bf16 v5, v4;
	_ =	sdelay $0x1  }
0xa2: {  	v5 =	vunpack.i.u.bf16.f32 v4;
	v4 =	vunpack.i.l.bf16.f32 v4  }
0xa3: {  	v4 =	vadd.f32 v4, v5  }
0xa4: {  	v42 =	vld [tilespmem:s15+$0xFFFFFFD0]  }
0xa5: {  	[tilespmem:s13+$0x0] =	vst v4  }
0xa6: {  	v4 =	vld.idx.msk [tilespmem:v13+s19+$0x0], $0xffff  }
0xa7: {  	v41 =	vld.idx.msk [tilespmem:v8+s19+$0x0], $0xffff;
	_ =	sdelay $0x1  }
0xa8: {  	v6 =	vadd.f32 $1.000000000e+00, v42;
	_ =	sdelay $0x1  }
0xa9: {  	v43 =	vmul.f32 $3.500000000e+00, v6  }
0xaa: {  	v4 =	vmul.bf16 v4, v2;
	v5 =	vmul.bf16 v41, v3;
	_ =	sdelay $0x1  }
0xab: {  	v4 =	vadd.bf16 v5, v4;
	v5 =	vmax.f32 v43, $0.0e+00  }
0xac: {  	v45 =	vmin.f32 v5, $7.000000000e+00  }
0xad: {  	v46 =	vld [tilespmem:s17+$0xFFFFFFD0];
	v44 =	vunpack.i.u.bf16.f32 v4;
	v4 =	vunpack.i.l.bf16.f32 v4;
	v5 =	vtrunc.f32 v45  }
0xae: {  	v4 =	vadd.f32 v4, v44;
	v5 =	vcvt.f32.s32 v5;
	_ =	sdelay $0x1  }
0xaf: {  	v10 =	vld [tilespmem:s12+$0xFFFFFFD0];
	[tilespmem:s13+$0x80] =	vst v4;
	vm9 =	vlt.s32 v5, $0x6  }
0xb0: {  	v47 =	vld.idx.msk [tilespmem:v13+s20+$0x0], $0xffff;
	v5 =	vnsel vm9, $0x6, v5  }
0xb1: {  	v48 =	vld.idx.msk [tilespmem:v8+s20+$0x0], $0xffff;
	v11 =	vadd.s32 v46, v5  }
0xb2: {  	v49 =	vcvt.s32.f32 v5;
	v5 =	vadd.s32 $0x8, v11;
	_ =	sdelay $0x1  }
0xb3: {  	v4 =	vsub.f32 v45, v49  }
0xb4: {  	v52 =	vsub.f32 $1.000000000e+00, v10  }
0xb5: {  	v7 =	vmul.bf16 v47, v2;
	v9 =	vmul.bf16 v48, v3;
	v51 =	vsub.f32 $1.000000000e+00, v4;
	v12 =	vld.idx.msk [tilespmem:v11+s18+$0x0], $0xffff  }
0xb6: {  	v14 =	vld.idx.msk [tilespmem:v5+s18+$0x0], $0xffff  }
0xb7: {  	v50 =	vadd.bf16 v9, v7;
	v16 =	vmul.f32 v51, v52;
	v9 =	vmul.f32 v4, v52  }
0xb8: {  	v7 =	vmul.f32 v51, v10;
	v4 =	vmul.f32 v4, v10  }
0xb9: {  	v15 =	vunpack.i.u.bf16.f32 v50;
	v6 =	vunpack.i.l.bf16.f32 v50  }
0xba: {  	v4 =	vpack.i.f32.bf16 v4, v7;
	v53 =	vadd.f32 v6, v15;
	v6 =	vpack.i.f32.bf16 v9, v16  }
0xbb: {  	v54 =	vmul.bf16 v12, v6;
	v55 =	vmul.bf16 v14, v4  }
0xbc: {  	v57 =	vld [tilespmem:s15+$0xFFFFFFE0];
	[tilespmem:s13+$0x100] =	vst v53  }
0xbd: {  	v10 =	vld.idx.msk [tilespmem:v13+s21+$0x0], $0xffff;
	v7 =	vadd.bf16 v55, v54  }
0xbe: {  	v56 =	vld.idx.msk [tilespmem:v8+s21+$0x0], $0xffff  }
0xbf: {  	v58 =	vunpack.i.u.bf16.f32 v7;
	v7 =	vunpack.i.l.bf16.f32 v7  }
0xc0: {  	v7 =	vadd.f32 v7, v58;
	_ =	sdelay $0x1  }
0xc1: {  	v9 =	vadd.f32 $1.000000000e+00, v57;
	[tilespmem:s13+$0x10] =	vst v7  }
0xc2: {  	v59 =	vmul.bf16 v10, v2;
	v60 =	vmul.bf16 v56, v3;
	v61 =	vld.idx.msk [tilespmem:v11+s19+$0x0], $0xffff  }
0xc3: {  	v9 =	vmul.f32 $3.500000000e+00, v9;
	v62 =	vld.idx.msk [tilespmem:v5+s19+$0x0], $0xffff  }
0xc4: {  	v7 =	vadd.bf16 v60, v59  }
0xc5: {  	v9 =	vmax.f32 v9, $0.0e+00  }
0xc6: {  	v63 =	vmin.f32 v9, $7.000000000e+00;
	v10 =	vunpack.i.u.bf16.f32 v7;
	v7 =	vunpack.i.l.bf16.f32 v7  }
0xc7: {  	v23 =	vtrunc.f32 v63;
	v7 =	vadd.f32 v7, v10  }
0xc8: {  	v22 =	vld [tilespmem:s17+$0xFFFFFFE0];
	v12 =	vmul.bf16 v61, v6;
	v21 =	vmul.bf16 v62, v4  }
0xc9: {  	v14 =	vcvt.f32.s32 v23;
	[tilespmem:s13+$0x180] =	vst v7  }
0xca: {  	v25 =	vld.idx.msk [tilespmem:v13+s22+$0x0], $0xffff;
	v24 =	vadd.bf16 v21, v12  }
0xcb: {  	vm10 =	vlt.s32 v14, $0x6;
	v26 =	vld.idx.msk [tilespmem:v8+s22+$0x0], $0xffff  }
0xcc: {  	v18 =	vld [tilespmem:s12+$0xFFFFFFE0];
	v14 =	vnsel vm10, $0x6, v14;
	v9 =	vunpack.i.u.bf16.f32 v24;
	v7 =	vunpack.i.l.bf16.f32 v24  }
0xcd: {  	v27 =	vcvt.s32.f32 v14;
	v17 =	vadd.f32 v7, v9;
	v9 =	vadd.s32 v22, v14  }
0xce: {  	v7 =	vadd.s32 $0x8, v9  }
0xcf: {  	v10 =	vsub.f32 v63, v27;
	[tilespmem:s13+$0x90] =	vst v17  }
0xd0: {  	v12 =	vmul.bf16 v25, v2;
	v29 =	vmul.bf16 v26, v3;
	v28 =	vld.idx.msk [tilespmem:v11+s20+$0x0], $0xffff  }
0xd1: {  	v19 =	vsub.f32 $1.000000000e+00, v18;
	v31 =	vsub.f32 $1.000000000e+00, v10;
	v30 =	vld.idx.msk [tilespmem:v5+s20+$0x0], $0xffff  }
0xd2: {  	v12 =	vadd.bf16 v29, v12;
	v20 =	vld.idx.msk [tilespmem:v9+s18+$0x0], $0xffff  }
0xd3: {  	v21 =	vmul.f32 v31, v19;
	v32 =	vld.idx.msk [tilespmem:v7+s18+$0x0], $0xffff  }
0xd4: {  	v19 =	vmul.f32 v10, v19;
	v22 =	vunpack.i.u.bf16.f32 v12;
	v12 =	vunpack.i.l.bf16.f32 v12  }
0xd5: {  	v10 =	vmul.f32 v10, v18;
	v17 =	vmul.f32 v31, v18;
	v33 =	vadd.f32 v12, v22  }
0xd6: {  	v14 =	vmul.bf16 v28, v6;
	v16 =	vmul.bf16 v30, v4  }
0xd7: {  	v10 =	vpack.i.f32.bf16 v10, v17;
	v12 =	vpack.i.f32.bf16 v19, v21;
	[tilespmem:s13+$0x200] =	vst v33  }
0xd8: {  	v35 =	vld.idx.msk [tilespmem:v13+s23+$0x0], $0xffff;
	v14 =	vadd.bf16 v16, v14;
	v34 =	vmul.bf16 v20, v12;
	v15 =	vmul.bf16 v32, v10  }
0xd9: {  	v37 =	vld.idx.msk [tilespmem:v8+s23+$0x0], $0xffff  }
0xda: {  	v44 =	vld [tilespmem:s15+$0xFFFFFFF0];
	v36 =	vunpack.i.u.bf16.f32 v14;
	v14 =	vunpack.i.l.bf16.f32 v14;
	v15 =	vadd.bf16 v15, v34  }
0xdb: {  	v14 =	vadd.f32 v14, v36  }
0xdc: {  	v38 =	vunpack.i.u.bf16.f32 v15;
	v15 =	vunpack.i.l.bf16.f32 v15  }
0xdd: {  	[tilespmem:s13+$0x110] =	vst v14;
	v39 =	vadd.f32 v15, v38  }
0xde: {  	v42 =	vmul.bf16 v35, v2;
	v16 =	vmul.bf16 v37, v3;
	v40 =	vld.idx.msk [tilespmem:v11+s21+$0x0], $0xffff  }
0xdf: {  	v19 =	vadd.f32 $1.000000000e+00, v44;
	v41 =	vld.idx.msk [tilespmem:v5+s21+$0x0], $0xffff;
	[tilespmem:s13+$0x20] =	vst v39  }
0xe0: {  	v14 =	vadd.bf16 v16, v42;
	v43 =	vld.idx.msk [tilespmem:v9+s19+$0x0], $0xffff  }
0xe1: {  	v47 =	vmul.f32 $3.500000000e+00, v19;
	v45 =	vld.idx.msk [tilespmem:v7+s19+$0x0], $0xffff  }
0xe2: {  	v46 =	vunpack.i.u.bf16.f32 v14;
	v14 =	vunpack.i.l.bf16.f32 v14  }
0xe3: {  	v50 =	vmax.f32 v47, $0.0e+00;
	v14 =	vadd.f32 v14, v46  }
0xe4: {  	v53 =	vmin.f32 v50, $7.000000000e+00;
	v15 =	vmul.bf16 v40, v6;
	v18 =	vmul.bf16 v41, v4  }
0xe5: {  	v55 =	vld [tilespmem:s17+$0xFFFFFFF0];
	v56 =	vtrunc.f32 v53;
	[tilespmem:s13+$0x280] =	vst v14  }
0xe6: {  	v49 =	vld.idx.msk [tilespmem:v13+s24+$0x0], $0xffff;
	v15 =	vadd.bf16 v18, v15;
	v17 =	vmul.bf16 v43, v12;
	v16 =	vmul.bf16 v45, v10  }
0xe7: {  	v57 =	vcvt.f32.s32 v56;
	v51 =	vld.idx.msk [tilespmem:v8+s24+$0x0], $0xffff  }
0xe8: {  	v48 =	vunpack.i.u.bf16.f32 v15;
	v15 =	vunpack.i.l.bf16.f32 v15;
	v16 =	vadd.bf16 v16, v17  }
0xe9: {  	v14 =	vadd.f32 v15, v48  }
0xea: {  	v23 =	vld [tilespmem:s12+$0xFFFFFFF0];
	vm11 =	vlt.s32 v57, $0x6;
	v52 =	vunpack.i.u.bf16.f32 v16;
	v16 =	vunpack.i.l.bf16.f32 v16  }
0xeb: {  	v32 =	vld [tilespmem:s15+$0x0];
	v17 =	vmul.bf16 v49, v2;
	[tilespmem:s13+$0x190] =	vst v14;
	v14 =	vnsel vm11, $0x6, v57;
	v54 =	vadd.f32 v16, v52  }
0xec: {  	v18 =	vmul.bf16 v51, v3;
	v58 =	vld.idx.msk [tilespmem:v11+s22+$0x0], $0xffff;
	v15 =	vadd.s32 v55, v14;
	v24 =	vcvt.s32.f32 v14  }
0xed: {  	v61 =	vld.idx.msk [tilespmem:v5+s22+$0x0], $0xffff;
	v14 =	vadd.s32 $0x8, v15;
	[tilespmem:s13+$0xA0] =	vst v54  }
0xee: {  	v17 =	vadd.bf16 v18, v17;
	v62 =	vsub.f32 v53, v24;
	v59 =	vld.idx.msk [tilespmem:v9+s20+$0x0], $0xffff  }
0xef: {  	v60 =	vld.idx.msk [tilespmem:v7+s20+$0x0], $0xffff  }
0xf0: {  	v25 =	vsub.f32 $1.000000000e+00, v23;
	v45 =	vld [tilespmem:s15+$0x10];
	v63 =	vunpack.i.u.bf16.f32 v17;
	v24 =	vsub.f32 $1.000000000e+00, v62  }
0xf1: {  	v17 =	vunpack.i.l.bf16.f32 v17;
	v18 =	vmul.f32 v62, v23;
	v26 =	vld.idx.msk [tilespmem:v15+s18+$0x0], $0xffff;
	v19 =	vmul.bf16 v58, v6  }
0xf2: {  	v17 =	vadd.f32 v17, v63;
	v16 =	vmul.bf16 v61, v4;
	v27 =	vld.idx.msk [tilespmem:v14+s18+$0x0], $0xffff;
	v30 =	vmul.f32 v24, v25  }
0xf3: {  	v25 =	vmul.f32 v62, v25;
	v31 =	vmul.f32 v24, v23  }
0xf4: {  	v57 =	vld [tilespmem:s15+$0x20];
	[tilespmem:s13+$0x300] =	vst v17;
	v19 =	vadd.bf16 v16, v19;
	v21 =	vmul.bf16 v59, v12;
	v22 =	vmul.bf16 v60, v10  }
0xf5: {  	v41 =	vadd.f32 $1.000000000e+00, v32;
	v34 =	vld.idx.msk [tilespmem:v13+s25+$0x0], $0xffff;
	v16 =	vpack.i.f32.bf16 v25, v30;
	v17 =	vpack.i.f32.bf16 v18, v31  }
0xf6: {  	v38 =	vld.idx.msk [tilespmem:v8+s25+$0x0], $0xffff;
	v25 =	vadd.f32 $1.000000000e+00, v45;
	v39 =	vunpack.i.u.bf16.f32 v19;
	v21 =	vadd.bf16 v22, v21  }
0xf7: {  	v19 =	vunpack.i.l.bf16.f32 v19;
	v36 =	vmul.bf16 v26, v16;
	v37 =	vmul.bf16 v27, v17  }
0xf8: {  	v19 =	vadd.f32 v19, v39;
	v33 =	vunpack.i.u.bf16.f32 v21;
	v21 =	vunpack.i.l.bf16.f32 v21  }
0xf9: {  	v53 =	vld [tilespmem:s12+$0x0];
	v55 =	vmul.f32 $3.500000000e+00, v25;
	v35 =	vadd.f32 v21, v33;
	v40 =	vadd.bf16 v37, v36  }
0xfa: {  	v28 =	vld [tilespmem:s17+$0x0];
	v25 =	vadd.f32 $1.000000000e+00, v57;
	v18 =	vmul.bf16 v34, v2;
	[tilespmem:s13+$0x210] =	vst v19;
	v21 =	vmul.f32 $3.500000000e+00, v41  }
0xfb: {  	v24 =	vmul.bf16 v38, v3;
	v47 =	vld.idx.msk [tilespmem:v11+s23+$0x0], $0xffff;
	[tilespmem:s13+$0x120] =	vst v35;
	v44 =	vunpack.i.u.bf16.f32 v40;
	v20 =	vunpack.i.l.bf16.f32 v40  }
0xfc: {  	v25 =	vmul.f32 $3.500000000e+00, v25;
	v46 =	vmax.f32 v21, $0.0e+00;
	v42 =	vld.idx.msk [tilespmem:v9+s21+$0x0], $0xffff;
	v20 =	vadd.f32 v20, v44  }
0xfd: {  	v18 =	vadd.bf16 v24, v18;
	v43 =	vld.idx.msk [tilespmem:v7+s21+$0x0], $0xffff;
	v19 =	vmin.f32 v46, $7.000000000e+00  }
0xfe: {  	v60 =	vsub.f32 $1.000000000e+00, v53;
	v36 =	vld [tilespmem:s12+$0x10];
	v25 =	vmax.f32 v25, $0.0e+00;
	v50 =	vtrunc.f32 v19;
	[tilespmem:s13+$0x30] =	vst v20  }
0xff: {  	v52 =	vunpack.i.u.bf16.f32 v18;
	v18 =	vunpack.i.l.bf16.f32 v18;
	v24 =	vcvt.f32.s32 v50;
	v49 =	vld.idx.msk [tilespmem:v15+s19+$0x0], $0xffff  }
0x100: {  	v63 =	vmin.f32 v25, $7.000000000e+00;
	v32 =	vadd.f32 v18, v52;
	v34 =	vmul.bf16 v47, v6;
	v51 =	vld.idx.msk [tilespmem:v14+s19+$0x0], $0xffff  }
0x101: {  	v31 =	vld [tilespmem:s15+$0x30];
	v47 =	vtrunc.f32 v63;
	vm12 =	vlt.s32 v24, $0x6;
	v48 =	vmul.bf16 v42, v12  }
0x102: {  	v23 =	vmul.bf16 v43, v10;
	v54 =	vnsel vm12, $0x6, v24;
	v24 =	vmax.f32 v55, $0.0e+00  }
0x103: {  	v50 =	vsub.f32 $1.000000000e+00, v36;
	v56 =	vcvt.s32.f32 v54;
	v24 =	vmin.f32 v24, $7.000000000e+00  }
0x104: {  	v20 =	vadd.bf16 v23, v48;
	v58 =	vtrunc.f32 v24;
	v22 =	vmul.bf16 v49, v16  }
0x105: {  	v26 =	vmul.bf16 v51, v17;
	v21 =	vsub.f32 v19, v56;
	v19 =	vadd.s32 v28, v54  }
0x106: {  	v29 =	vld [tilespmem:s17+$0x10];
	v48 =	vadd.f32 $1.000000000e+00, v31;
	v33 =	vunpack.i.u.bf16.f32 v20;
	v18 =	vadd.s32 $0x8, v19  }
0x107: {  	v35 =	vunpack.i.l.bf16.f32 v20;
	v22 =	vadd.bf16 v26, v22;
	v26 =	vcvt.f32.s32 v58  }
0x108: {  	v59 =	vsub.f32 $1.000000000e+00, v21;
	v28 =	vmul.f32 v21, v60;
	v21 =	vmul.f32 v21, v53  }
0x109: {  	v35 =	vadd.f32 v35, v33;
	v61 =	vunpack.i.u.bf16.f32 v22;
	vm13 =	vlt.s32 v26, $0x6  }
0x10a: {  	v22 =	vunpack.i.l.bf16.f32 v22;
	v30 =	vmul.f32 v59, v60;
	v26 =	vnsel vm13, $0x6, v26;
	v38 =	vld.idx.msk [tilespmem:v19+s18+$0x0], $0xffff  }
0x10b: {  	v46 =	vld [tilespmem:s17+$0x20];
	v27 =	vmul.f32 v59, v53;
	v62 =	vcvt.s32.f32 v26;
	v23 =	vadd.s32 v29, v26  }
0x10c: {  	v39 =	vld.idx.msk [tilespmem:v18+s18+$0x0], $0xffff;
	v20 =	vpack.i.f32.bf16 v28, v30;
	v26 =	vcvt.f32.s32 v47;
	v28 =	vmul.f32 $3.500000000e+00, v48  }
0x10d: {  	v37 =	vadd.f32 v22, v61;
	v21 =	vpack.i.f32.bf16 v21, v27;
	v48 =	vld.idx.msk [tilespmem:v5+s23+$0x0], $0xffff;
	v24 =	vsub.f32 v24, v62  }
0x10e: {  	v22 =	vadd.s32 $0x8, v23;
	vm14 =	vlt.s32 v26, $0x6;
	v28 =	vmax.f32 v28, $0.0e+00  }
0x10f: {  	v44 =	vmin.f32 v28, $7.000000000e+00;
	v51 =	vmul.bf16 v38, v20;
	v31 =	vmul.f32 v24, v50  }
0x110: {  	v43 =	vld [tilespmem:s12+$0x20];
	v42 =	vnsel vm14, $0x6, v26;
	v54 =	vmul.f32 v24, v36;
	v56 =	vtrunc.f32 v44  }
0x111: {  	v49 =	vsub.f32 $1.000000000e+00, v24;
	v57 =	vcvt.s32.f32 v42;
	v52 =	vmul.bf16 v39, v21  }
0x112: {  	v55 =	vld [tilespmem:s17+$0x30];
	v26 =	vadd.s32 v46, v42;
	v58 =	vcvt.f32.s32 v56;
	v48 =	vmul.bf16 v48, v4  }
0x113: {  	[tilespmem:s13+$0xB0] =	vst v37;
	v40 =	vld.idx.msk [tilespmem:v23+s18+$0x0], $0xffff;
	v27 =	vadd.s32 $0x8, v26;
	v53 =	vmul.f32 v49, v50;
	v30 =	vmul.f32 v49, v36  }
0x114: {  	v37 =	vld.idx.msk [tilespmem:v15+s20+$0x0], $0xffff;
	v59 =	vsub.f32 v63, v57;
	v38 =	vadd.bf16 v52, v51;
	vm15 =	vlt.s32 v58, $0x6  }
0x115: {  	v41 =	vld.idx.msk [tilespmem:v22+s18+$0x0], $0xffff;
	v51 =	vsub.f32 $1.000000000e+00, v43;
	v34 =	vadd.bf16 v48, v34;
	v24 =	vpack.i.f32.bf16 v31, v53  }
0x116: {  	v42 =	vld [tilespmem:s12+$0x30];
	v25 =	vpack.i.f32.bf16 v54, v30;
	v62 =	vnsel vm15, $0x6, v58;
	v63 =	vsub.f32 $1.000000000e+00, v59  }
0x117: {  	v30 =	vmul.f32 v59, v43;
	v54 =	vld.idx.msk [tilespmem:v14+s20+$0x0], $0xffff;
	v45 =	vunpack.i.u.bf16.f32 v38;
	v28 =	vadd.s32 v55, v62  }
0x118: {  	v61 =	vld.idx.msk [tilespmem:v26+s18+$0x0], $0xffff;
	v38 =	vunpack.i.l.bf16.f32 v38;
	v47 =	vcvt.s32.f32 v62;
	v31 =	vmul.bf16 v40, v24  }
0x119: {  	[tilespmem:s13+$0x380] =	vst v32;
	v46 =	vld.idx.msk [tilespmem:v27+s18+$0x0], $0xffff;
	v29 =	vadd.s32 $0x8, v28;
	v52 =	vmul.f32 v63, v51;
	v40 =	vmul.f32 v63, v43  }
0x11a: {  	v39 =	vld.idx.msk [tilespmem:v13+s26+$0x0], $0xffff;
	v38 =	vadd.f32 v38, v45;
	v60 =	vmul.bf16 v41, v25;
	v41 =	vmul.f32 v59, v51  }
0x11b: {  	v37 =	vmul.bf16 v37, v16;
	v48 =	vld.idx.msk [tilespmem:v8+s26+$0x0], $0xffff;
	v57 =	vsub.f32 $1.000000000e+00, v42;
	v53 =	vsub.f32 v44, v47  }
0x11c: {  	v30 =	vpack.i.f32.bf16 v30, v40;
	[tilespmem:s13+$0x40] =	vst v38;
	v36 =	vadd.bf16 v60, v31;
	v31 =	vpack.i.f32.bf16 v41, v52  }
0x11d: {  	v56 =	vsub.f32 $1.000000000e+00, v53;
	v41 =	vmul.f32 v53, v57;
	v52 =	vld.idx.msk [tilespmem:v19+s19+$0x0], $0xffff;
	v44 =	vmul.bf16 v54, v17  }
0x11e: {  	v58 =	vld.idx.msk [tilespmem:v28+s18+$0x0], $0xffff;
	v60 =	vmul.bf16 v61, v31;
	v55 =	vunpack.i.u.bf16.f32 v36;
	v61 =	vmul.bf16 v46, v30  }
0x11f: {  	[tilespmem:s13+$0x1A0] =	vst v35;
	v59 =	vunpack.i.l.bf16.f32 v36;
	v62 =	vld.idx.msk [tilespmem:v29+s18+$0x0], $0xffff;
	v63 =	vmul.f32 v56, v57;
	v40 =	vmul.f32 v56, v42  }
0x120: {  	v42 =	vmul.f32 v53, v42;
	v53 =	vld.idx.msk [tilespmem:v18+s19+$0x0], $0xffff;
	v37 =	vadd.bf16 v44, v37;
	v32 =	vadd.f32 v59, v55  }
0x121: {  	v50 =	vunpack.i.u.bf16.f32 v34;
	v34 =	vunpack.i.l.bf16.f32 v34;
	v59 =	vld.idx.msk [tilespmem:v9+s22+$0x0], $0xffff;
	v36 =	vadd.bf16 v61, v60  }
0x122: {  	v33 =	vpack.i.f32.bf16 v41, v63;
	v60 =	vunpack.i.u.bf16.f32 v37;
	v61 =	vld.idx.msk [tilespmem:v7+s22+$0x0], $0xffff;
	v37 =	vunpack.i.l.bf16.f32 v37;
	[tilespmem:s13+$0x50] =	vst v32  }
0x123: {  	v32 =	vpack.i.f32.bf16 v42, v40;
	v37 =	vadd.f32 v37, v60;
	v54 =	vld.idx.msk [tilespmem:v23+s19+$0x0], $0xffff;
	v55 =	vmul.bf16 v58, v33  }
0x124: {  	v57 =	vld.idx.msk [tilespmem:v22+s19+$0x0], $0xffff;
	v58 =	vunpack.i.u.bf16.f32 v36;
	v36 =	vunpack.i.l.bf16.f32 v36;
	v56 =	vmul.bf16 v62, v32  }
0x125: {  	v36 =	vadd.f32 v36, v58;
	v62 =	vmul.bf16 v52, v20;
	v63 =	vmul.bf16 v53, v21;
	[tilespmem:s13+$0x130] =	vst v37  }
0x126: {  	v39 =	vmul.bf16 v39, v2;
	v34 =	vadd.f32 v34, v50;
	v60 =	vld.idx.msk [tilespmem:v14+s21+$0x0], $0xffff;
	v40 =	vadd.bf16 v56, v55  }
0x127: {  	v58 =	vmul.bf16 v48, v3;
	[tilespmem:s13+$0x60] =	vst v36;
	v42 =	vadd.bf16 v63, v62;
	v55 =	vld.idx.msk [tilespmem:v15+s21+$0x0], $0xffff  }
0x128: {  	v41 =	vmul.bf16 v61, v10;
	v51 =	vld.idx.msk [tilespmem:v26+s19+$0x0], $0xffff;
	v49 =	vunpack.i.u.bf16.f32 v40;
	v52 =	vmul.bf16 v54, v24  }
0x129: {  	v53 =	vld.idx.msk [tilespmem:v27+s19+$0x0], $0xffff;
	v40 =	vunpack.i.l.bf16.f32 v40;
	v35 =	vmul.bf16 v57, v25;
	v54 =	vmul.bf16 v59, v12  }
0x12a: {  	v39 =	vadd.bf16 v58, v39;
	v56 =	vunpack.i.u.bf16.f32 v42;
	v36 =	vadd.f32 v40, v49  }
0x12b: {  	v42 =	vunpack.i.l.bf16.f32 v42;
	v35 =	vadd.bf16 v35, v52;
	v40 =	vadd.bf16 v41, v54  }
0x12c: {  	v54 =	vmul.bf16 v60, v17;
	[tilespmem:s13+$0x70] =	vst v36;
	v36 =	vadd.f32 v42, v56;
	v44 =	vmul.bf16 v55, v16  }
0x12d: {  	v57 =	vld.idx.msk [tilespmem:v28+s19+$0x0], $0xffff;
	v61 =	vunpack.i.u.bf16.f32 v35;
	v35 =	vunpack.i.l.bf16.f32 v35;
	v63 =	vmul.bf16 v51, v31  }
0x12e: {  	v59 =	vld.idx.msk [tilespmem:v29+s19+$0x0], $0xffff;
	v38 =	vmul.bf16 v53, v30;
	v48 =	vunpack.i.u.bf16.f32 v40;
	v40 =	vunpack.i.l.bf16.f32 v40;
	[tilespmem:s13+$0xC0] =	vst v36  }
0x12f: {  	[tilespmem:s13+$0x290] =	vst v34;
	v35 =	vadd.f32 v35, v61;
	v34 =	vadd.f32 v40, v48;
	v62 =	vld.idx.msk [tilespmem:v19+s20+$0x0], $0xffff  }
0x130: {  	v58 =	vadd.bf16 v54, v44;
	v49 =	vld.idx.msk [tilespmem:v18+s20+$0x0], $0xffff;
	v51 =	vadd.bf16 v38, v63  }
0x131: {  	v50 =	vld.idx.msk [tilespmem:v11+s24+$0x0], $0xffff;
	[tilespmem:s13+$0xD0] =	vst v35  }
0x132: {  	[tilespmem:s13+$0x220] =	vst v34;
	v44 =	vunpack.i.u.bf16.f32 v58;
	v34 =	vunpack.i.l.bf16.f32 v58;
	v52 =	vld.idx.msk [tilespmem:v23+s20+$0x0], $0xffff;
	v56 =	vunpack.i.u.bf16.f32 v51  }
0x133: {  	v55 =	vld.idx.msk [tilespmem:v22+s20+$0x0], $0xffff;
	v35 =	vunpack.i.l.bf16.f32 v51;
	v37 =	vmul.bf16 v57, v33;
	v53 =	vmul.bf16 v59, v32  }
0x134: {  	v51 =	vld.idx.msk [tilespmem:v7+s23+$0x0], $0xffff;
	v34 =	vadd.f32 v34, v44;
	v35 =	vadd.f32 v35, v56  }
0x135: {  	v57 =	vld.idx.msk [tilespmem:v5+s24+$0x0], $0xffff;
	v37 =	vadd.bf16 v53, v37;
	v59 =	vmul.bf16 v62, v20;
	v60 =	vmul.bf16 v49, v21  }
0x136: {  	[tilespmem:s13+$0x1B0] =	vst v34;
	v62 =	vld.idx.msk [tilespmem:v9+s23+$0x0], $0xffff  }
0x137: {  	[tilespmem:s13+$0xE0] =	vst v35;
	v42 =	vld.idx.msk [tilespmem:v15+s22+$0x0], $0xffff;
	v63 =	vunpack.i.u.bf16.f32 v37;
	v37 =	vunpack.i.l.bf16.f32 v37;
	v38 =	vadd.bf16 v60, v59  }
0x138: {  	v48 =	vld.idx.msk [tilespmem:v26+s20+$0x0], $0xffff;
	v36 =	vmul.bf16 v52, v24;
	v49 =	vmul.bf16 v55, v25;
	v35 =	vadd.f32 v37, v63  }
0x139: {  	v61 =	vmul.bf16 v50, v6;
	v50 =	vld.idx.msk [tilespmem:v27+s20+$0x0], $0xffff  }
0x13a: {  	v52 =	vunpack.i.u.bf16.f32 v38;
	v38 =	vunpack.i.l.bf16.f32 v38;
	v36 =	vadd.bf16 v49, v36;
	v49 =	vld.idx.msk [tilespmem:v14+s22+$0x0], $0xffff;
	[tilespmem:s13+$0xF0] =	vst v35  }
0x13b: {  	v55 =	vunpack.i.u.bf16.f32 v39;
	v53 =	vmul.bf16 v57, v4;
	v38 =	vadd.f32 v38, v52;
	v54 =	vld.idx.msk [tilespmem:v28+s20+$0x0], $0xffff  }
0x13c: {  	v39 =	vunpack.i.l.bf16.f32 v39;
	v56 =	vld.idx.msk [tilespmem:v29+s20+$0x0], $0xffff;
	v57 =	vunpack.i.u.bf16.f32 v36;
	v36 =	vunpack.i.l.bf16.f32 v36  }
0x13d: {  	v35 =	vadd.bf16 v53, v61;
	v61 =	vmul.bf16 v62, v12;
	[tilespmem:s13+$0x140] =	vst v38;
	v36 =	vadd.f32 v36, v57  }
0x13e: {  	v39 =	vadd.f32 v39, v55;
	v59 =	vmul.bf16 v48, v31;
	v60 =	vmul.bf16 v50, v30;
	v58 =	vld.idx.msk [tilespmem:v19+s21+$0x0], $0xffff  }
0x13f: {  	v62 =	vmul.bf16 v51, v10;
	v42 =	vmul.bf16 v42, v16;
	v63 =	vld.idx.msk [tilespmem:v18+s21+$0x0], $0xffff;
	[tilespmem:s13+$0x150] =	vst v36  }
0x140: {  	[tilespmem:s13+$0x1000] =	vst v39;
	v48 =	vunpack.i.u.bf16.f32 v35;
	v35 =	vunpack.i.l.bf16.f32 v35;
	v38 =	vadd.bf16 v60, v59;
	v51 =	vld.idx.msk [tilespmem:v23+s21+$0x0], $0xffff  }
0x141: {  	v35 =	vadd.f32 v35, v48;
	v52 =	vld.idx.msk [tilespmem:v22+s21+$0x0], $0xffff;
	v37 =	vmul.bf16 v54, v33;
	v34 =	vmul.bf16 v56, v32  }
0x142: {  	v50 =	vadd.bf16 v62, v61;
	v53 =	vunpack.i.u.bf16.f32 v38;
	v38 =	vunpack.i.l.bf16.f32 v38;
	v54 =	vld.idx.msk [tilespmem:v13+s28+$0x0], $0xffff  }
0x143: {  	[tilespmem:s13+$0x310] =	vst v35;
	v38 =	vadd.f32 v38, v53;
	v34 =	vadd.bf16 v34, v37;
	v37 =	vld.idx.msk [tilespmem:v8+s28+$0x0], $0xffff  }
0x144: {  	v36 =	vmul.bf16 v49, v17;
	v57 =	vmul.bf16 v58, v20;
	v58 =	vld.idx.msk [tilespmem:v11+s25+$0x0], $0xffff  }
0x145: {  	v55 =	vunpack.i.u.bf16.f32 v50;
	v56 =	vunpack.i.l.bf16.f32 v50;
	v44 =	vmul.bf16 v63, v21;
	[tilespmem:s13+$0x160] =	vst v38;
	v63 =	vld.idx.msk [tilespmem:v5+s25+$0x0], $0xffff  }
0x146: {  	v36 =	vadd.bf16 v36, v42;
	v35 =	vadd.f32 v56, v55;
	v60 =	vld.idx.msk [tilespmem:v26+s21+$0x0], $0xffff  }
0x147: {  	v62 =	vld.idx.msk [tilespmem:v27+s21+$0x0], $0xffff;
	v59 =	vunpack.i.u.bf16.f32 v34;
	v34 =	vunpack.i.l.bf16.f32 v34;
	v40 =	vadd.bf16 v44, v57  }
0x148: {  	[tilespmem:s13+$0x2A0] =	vst v35;
	v61 =	vmul.bf16 v51, v24;
	v39 =	vmul.bf16 v52, v25;
	v34 =	vadd.f32 v34, v59  }
0x149: {  	v51 =	vunpack.i.u.bf16.f32 v36;
	v53 =	vld.idx.msk [tilespmem:v9+s24+$0x0], $0xffff;
	v36 =	vunpack.i.l.bf16.f32 v36;
	v50 =	vmul.bf16 v54, v2  }
0x14a: {  	v57 =	vld.idx.msk [tilespmem:v7+s24+$0x0], $0xffff;
	v35 =	vadd.f32 v36, v51;
	v47 =	vunpack.i.u.bf16.f32 v40;
	v40 =	vunpack.i.l.bf16.f32 v40;
	[tilespmem:s13+$0x170] =	vst v34  }
0x14b: {  	v38 =	vadd.bf16 v39, v61;
	v48 =	vadd.f32 v40, v47;
	v45 =	vmul.bf16 v58, v6;
	v49 =	vld.idx.msk [tilespmem:v28+s21+$0x0], $0xffff  }
0x14c: {  	[tilespmem:s13+$0x230] =	vst v35;
	v52 =	vld.idx.msk [tilespmem:v29+s21+$0x0], $0xffff;
	v44 =	vmul.bf16 v60, v31;
	v41 =	vmul.bf16 v62, v30  }
0x14d: {  	v43 =	vmul.bf16 v63, v4;
	v54 =	vunpack.i.u.bf16.f32 v38;
	v38 =	vunpack.i.l.bf16.f32 v38;
	v61 =	vld.idx.msk [tilespmem:v15+s23+$0x0], $0xffff;
	[tilespmem:s13+$0x1C0] =	vst v48  }
0x14e: {  	v37 =	vmul.bf16 v37, v3;
	v34 =	vadd.f32 v38, v54;
	v55 =	vld.idx.msk [tilespmem:v19+s22+$0x0], $0xffff;
	v41 =	vadd.bf16 v41, v44  }
0x14f: {  	v43 =	vadd.bf16 v43, v45;
	v56 =	vld.idx.msk [tilespmem:v18+s22+$0x0], $0xffff  }
0x150: {  	v63 =	vld.idx.msk [tilespmem:v14+s23+$0x0], $0xffff;
	v37 =	vadd.bf16 v37, v50;
	[tilespmem:s13+$0x1D0] =	vst v34;
	v60 =	vunpack.i.u.bf16.f32 v41;
	v41 =	vunpack.i.l.bf16.f32 v41  }
0x151: {  	v58 =	vld.idx.msk [tilespmem:v23+s22+$0x0], $0xffff;
	v39 =	vmul.bf16 v49, v33;
	v42 =	vmul.bf16 v52, v32;
	v40 =	vadd.f32 v41, v60  }
0x152: {  	v46 =	vmul.bf16 v53, v12;
	v45 =	vunpack.i.u.bf16.f32 v43;
	v62 =	vunpack.i.l.bf16.f32 v43;
	v59 =	vld.idx.msk [tilespmem:v22+s22+$0x0], $0xffff  }
0x153: {  	v34 =	vmul.bf16 v57, v10;
	v41 =	vmul.bf16 v61, v16;
	v39 =	vadd.bf16 v42, v39;
	[tilespmem:s13+$0x1E0] =	vst v40  }
0x154: {  	v50 =	vadd.f32 v62, v45;
	v38 =	vmul.bf16 v55, v20;
	v36 =	vmul.bf16 v56, v21;
	v49 =	vld.idx.msk [tilespmem:v26+s22+$0x0], $0xffff  }
0x155: {  	v34 =	vadd.bf16 v34, v46;
	v52 =	vld.idx.msk [tilespmem:v27+s22+$0x0], $0xffff;
	v48 =	vunpack.i.u.bf16.f32 v39;
	v39 =	vunpack.i.l.bf16.f32 v39  }
0x156: {  	v54 =	vmul.bf16 v63, v17;
	v36 =	vadd.bf16 v36, v38;
	v39 =	vadd.f32 v39, v48  }
0x157: {  	[tilespmem:s13+$0x390] =	vst v50;
	v56 =	vunpack.i.u.bf16.f32 v37;
	v51 =	vmul.bf16 v58, v24;
	v35 =	vmul.bf16 v59, v25  }
0x158: {  	v62 =	vunpack.i.u.bf16.f32 v34;
	v58 =	vld.idx.msk [tilespmem:v11+s26+$0x0], $0xffff;
	v53 =	vunpack.i.u.bf16.f32 v36;
	v36 =	vunpack.i.l.bf16.f32 v36;
	[tilespmem:s13+$0x1F0] =	vst v39  }
0x159: {  	v34 =	vunpack.i.l.bf16.f32 v34;
	v35 =	vadd.bf16 v35, v51;
	v36 =	vadd.f32 v36, v53;
	v55 =	vld.idx.msk [tilespmem:v28+s22+$0x0], $0xffff  }
0x15a: {  	v34 =	vadd.f32 v34, v62;
	v57 =	vld.idx.msk [tilespmem:v29+s22+$0x0], $0xffff;
	v60 =	vmul.bf16 v49, v31;
	v61 =	vmul.bf16 v52, v30  }
0x15b: {  	v48 =	vld.idx.msk [tilespmem:v5+s26+$0x0], $0xffff;
	v39 =	vadd.bf16 v54, v41;
	v59 =	vunpack.i.u.bf16.f32 v35;
	v35 =	vunpack.i.l.bf16.f32 v35;
	[tilespmem:s13+$0x240] =	vst v36  }
0x15c: {  	v37 =	vunpack.i.l.bf16.f32 v37;
	v35 =	vadd.f32 v35, v59;
	v41 =	vld.idx.msk [tilespmem:v19+s23+$0x0], $0xffff;
	v50 =	vadd.bf16 v61, v60  }
0x15d: {  	v37 =	vadd.f32 v37, v56;
	[tilespmem:s13+$0x320] =	vst v34;
	v49 =	vunpack.i.u.bf16.f32 v39;
	v63 =	vld.idx.msk [tilespmem:v18+s23+$0x0], $0xffff  }
0x15e: {  	v51 =	vunpack.i.l.bf16.f32 v39;
	v59 =	vld.idx.msk [tilespmem:v7+s25+$0x0], $0xffff;
	[tilespmem:s13+$0x250] =	vst v35;
	v56 =	vunpack.i.u.bf16.f32 v50;
	v35 =	vunpack.i.l.bf16.f32 v50  }
0x15f: {  	v52 =	vld.idx.msk [tilespmem:v23+s23+$0x0], $0xffff;
	v53 =	vmul.bf16 v55, v33;
	v40 =	vmul.bf16 v57, v32;
	v35 =	vadd.f32 v35, v56  }
0x160: {  	v54 =	vadd.f32 v51, v49;
	v62 =	vmul.bf16 v48, v4;
	v55 =	vld.idx.msk [tilespmem:v22+s23+$0x0], $0xffff  }
0x161: {  	v57 =	vmul.bf16 v58, v6;
	v58 =	vld.idx.msk [tilespmem:v9+s25+$0x0], $0xffff;
	v39 =	vadd.bf16 v40, v53;
	[tilespmem:s13+$0x260] =	vst v35  }
0x162: {  	v60 =	vmul.bf16 v41, v20;
	v61 =	vmul.bf16 v63, v21;
	v48 =	vld.idx.msk [tilespmem:v26+s23+$0x0], $0xffff  }
0x163: {  	[tilespmem:s13+$0x2B0] =	vst v54;
	v49 =	vadd.bf16 v62, v57;
	v50 =	vld.idx.msk [tilespmem:v27+s23+$0x0], $0xffff;
	v47 =	vunpack.i.u.bf16.f32 v39;
	v39 =	vunpack.i.l.bf16.f32 v39  }
0x164: {  	v54 =	vmul.bf16 v59, v10;
	v63 =	vld.idx.msk [tilespmem:v15+s24+$0x0], $0xffff;
	v34 =	vadd.bf16 v61, v60;
	v35 =	vadd.f32 v39, v47  }
0x165: {  	v38 =	vmul.bf16 v52, v24;
	v52 =	vld.idx.msk [tilespmem:v14+s24+$0x0], $0xffff;
	v56 =	vunpack.i.u.bf16.f32 v49;
	v36 =	vmul.bf16 v55, v25  }
0x166: {  	v51 =	vmul.bf16 v58, v12;
	v39 =	vunpack.i.l.bf16.f32 v49;
	v53 =	vunpack.i.u.bf16.f32 v34;
	[tilespmem:s13+$0x270] =	vst v35  }
0x167: {  	[tilespmem:s13+$0x1080] =	vst v37;
	v34 =	vunpack.i.l.bf16.f32 v34;
	v37 =	vadd.f32 v39, v56;
	v36 =	vadd.bf16 v36, v38;
	v55 =	vld.idx.msk [tilespmem:v28+s23+$0x0], $0xffff  }
0x168: {  	v34 =	vadd.f32 v34, v53;
	v57 =	vld.idx.msk [tilespmem:v29+s23+$0x0], $0xffff;
	v60 =	vmul.bf16 v48, v31;
	v61 =	vmul.bf16 v50, v30  }
0x169: {  	v35 =	vadd.bf16 v54, v51;
	v62 =	vmul.bf16 v63, v16;
	v58 =	vunpack.i.u.bf16.f32 v36  }
0x16a: {  	[tilespmem:s13+$0x1010] =	vst v37;
	v36 =	vunpack.i.l.bf16.f32 v36;
	v63 =	vmul.bf16 v52, v17;
	v50 =	vadd.bf16 v61, v60  }
0x16b: {  	[tilespmem:s13+$0x2C0] =	vst v34;
	v49 =	vunpack.i.u.bf16.f32 v35;
	v35 =	vunpack.i.l.bf16.f32 v35;
	v42 =	vld.idx.msk [tilespmem:v11+s28+$0x0], $0xffff;
	v34 =	vadd.f32 v36, v58  }
0x16c: {  	v59 =	vld.idx.msk [tilespmem:v19+s24+$0x0], $0xffff;
	v35 =	vadd.f32 v35, v49;
	v51 =	vadd.bf16 v63, v62;
	v41 =	vunpack.i.u.bf16.f32 v50  }
0x16d: {  	v48 =	vld.idx.msk [tilespmem:v18+s24+$0x0], $0xffff;
	[tilespmem:s13+$0x2D0] =	vst v34;
	v34 =	vunpack.i.l.bf16.f32 v50;
	v38 =	vmul.bf16 v55, v33;
	v40 =	vmul.bf16 v57, v32  }
0x16e: {  	v52 =	vld.idx.msk [tilespmem:v23+s24+$0x0], $0xffff;
	v34 =	vadd.f32 v34, v41  }
0x16f: {  	[tilespmem:s13+$0x3A0] =	vst v35;
	v53 =	vld.idx.msk [tilespmem:v22+s24+$0x0], $0xffff;
	v54 =	vunpack.i.u.bf16.f32 v51;
	v55 =	vunpack.i.l.bf16.f32 v51;
	v38 =	vadd.bf16 v40, v38  }
0x170: {  	v58 =	vld.idx.msk [tilespmem:v9+s26+$0x0], $0xffff;
	v35 =	vadd.f32 v55, v54;
	[tilespmem:s13+$0x2E0] =	vst v34  }
0x171: {  	v56 =	vmul.bf16 v59, v20;
	v60 =	vld.idx.msk [tilespmem:v26+s24+$0x0], $0xffff;
	v59 =	vunpack.i.u.bf16.f32 v38;
	v38 =	vunpack.i.l.bf16.f32 v38  }
0x172: {  	v57 =	vmul.bf16 v48, v21;
	[tilespmem:s13+$0x330] =	vst v35;
	v62 =	vld.idx.msk [tilespmem:v27+s24+$0x0], $0xffff;
	v34 =	vadd.f32 v38, v59  }
0x173: {  	v63 =	vld.idx.msk [tilespmem:v15+s25+$0x0], $0xffff  }
0x174: {  	v36 =	vadd.bf16 v57, v56;
	v61 =	vmul.bf16 v52, v24;
	v52 =	vld.idx.msk [tilespmem:v14+s25+$0x0], $0xffff;
	[tilespmem:s13+$0x2F0] =	vst v34  }
0x175: {  	v37 =	vmul.bf16 v53, v25;
	v50 =	vld.idx.msk [tilespmem:v28+s24+$0x0], $0xffff  }
0x176: {  	v42 =	vmul.bf16 v42, v6;
	v48 =	vunpack.i.u.bf16.f32 v36;
	v36 =	vunpack.i.l.bf16.f32 v36;
	v51 =	vld.idx.msk [tilespmem:v29+s24+$0x0], $0xffff  }
0x177: {  	v43 =	vmul.bf16 v58, v12;
	v49 =	vadd.f32 v36, v48;
	v35 =	vadd.bf16 v37, v61  }
0x178: {  	v40 =	vld.idx.msk [tilespmem:v5+s28+$0x0], $0xffff;
	v41 =	vmul.bf16 v60, v31;
	v38 =	vmul.bf16 v62, v30  }
0x179: {  	v56 =	vld.idx.msk [tilespmem:v7+s26+$0x0], $0xffff;
	[tilespmem:s13+$0x340] =	vst v49;
	v53 =	vunpack.i.u.bf16.f32 v35;
	v35 =	vunpack.i.l.bf16.f32 v35;
	v39 =	vmul.bf16 v63, v16  }
0x17a: {  	v54 =	vld.idx.msk [tilespmem:v19+s25+$0x0], $0xffff;
	v34 =	vadd.f32 v35, v53;
	v38 =	vadd.bf16 v38, v41;
	v44 =	vmul.bf16 v52, v17  }
0x17b: {  	v55 =	vld.idx.msk [tilespmem:v18+s25+$0x0], $0xffff;
	v36 =	vmul.bf16 v50, v33;
	v37 =	vmul.bf16 v51, v32  }
0x17c: {  	v45 =	vld.idx.msk [tilespmem:v13+s29+$0x0], $0xffff;
	[tilespmem:s13+$0x350] =	vst v34;
	v57 =	vunpack.i.u.bf16.f32 v38;
	v38 =	vunpack.i.l.bf16.f32 v38;
	v39 =	vadd.bf16 v44, v39  }
0x17d: {  	v40 =	vmul.bf16 v40, v4;
	v34 =	vadd.f32 v38, v57;
	v58 =	vld.idx.msk [tilespmem:v23+s25+$0x0], $0xffff;
	v36 =	vadd.bf16 v37, v36  }
0x17e: {  	v41 =	vmul.bf16 v56, v10;
	v60 =	vld.idx.msk [tilespmem:v22+s25+$0x0], $0xffff;
	v48 =	vunpack.i.u.bf16.f32 v39;
	v39 =	vunpack.i.l.bf16.f32 v39  }
0x17f: {  	v44 =	vld.idx.msk [tilespmem:v8+s29+$0x0], $0xffff;
	[tilespmem:s13+$0x360] =	vst v34;
	v39 =	vadd.f32 v39, v48;
	v61 =	vunpack.i.u.bf16.f32 v36;
	v36 =	vunpack.i.l.bf16.f32 v36  }
0x180: {  	v59 =	vmul.bf16 v54, v20;
	v35 =	vmul.bf16 v55, v21;
	v62 =	vld.idx.msk [tilespmem:v26+s25+$0x0], $0xffff;
	v34 =	vadd.f32 v36, v61  }
0x181: {  	v63 =	vadd.bf16 v40, v42;
	v41 =	vadd.bf16 v41, v43;
	v49 =	vld.idx.msk [tilespmem:v27+s25+$0x0], $0xffff;
	[tilespmem:s13+$0x3B0] =	vst v39  }
0x182: {  	v35 =	vadd.bf16 v35, v59;
	v52 =	vmul.bf16 v58, v24;
	v58 =	vld.idx.msk [tilespmem:v15+s26+$0x0], $0xffff;
	[tilespmem:s13+$0x370] =	vst v34  }
0x183: {  	v57 =	vunpack.i.u.bf16.f32 v41;
	v59 =	vunpack.i.l.bf16.f32 v41;
	v53 =	vmul.bf16 v60, v25;
	v54 =	vld.idx.msk [tilespmem:v28+s25+$0x0], $0xffff  }
0x184: {  	v38 =	vadd.f32 v59, v57;
	v50 =	vunpack.i.u.bf16.f32 v35;
	v51 =	vunpack.i.l.bf16.f32 v35;
	v56 =	vld.idx.msk [tilespmem:v29+s25+$0x0], $0xffff  }
0x185: {  	v55 =	vunpack.i.u.bf16.f32 v63;
	v36 =	vunpack.i.l.bf16.f32 v63;
	v60 =	vld.idx.msk [tilespmem:v14+s26+$0x0], $0xffff;
	v34 =	vadd.f32 v51, v50  }
0x186: {  	v35 =	vadd.bf16 v53, v52;
	[tilespmem:s13+$0x1020] =	vst v38;
	v61 =	vmul.bf16 v62, v31;
	v62 =	vmul.bf16 v49, v30  }
0x187: {  	v36 =	vadd.f32 v36, v55;
	v50 =	vmul.bf16 v44, v3;
	v43 =	vld.idx.msk [tilespmem:v9+s28+$0x0], $0xffff  }
0x188: {  	v44 =	vld.idx.msk [tilespmem:v7+s28+$0x0], $0xffff;
	[tilespmem:s13+$0x3C0] =	vst v34;
	v47 =	vunpack.i.u.bf16.f32 v35;
	v35 =	vunpack.i.l.bf16.f32 v35;
	v34 =	vadd.bf16 v62, v61  }
0x189: {  	v63 =	vld.idx.msk [tilespmem:v19+s26+$0x0], $0xffff;
	v35 =	vadd.f32 v35, v47;
	v49 =	vmul.bf16 v54, v33;
	v39 =	vmul.bf16 v56, v32  }
0x18a: {  	v45 =	vmul.bf16 v45, v2;
	[tilespmem:s13+$0x1090] =	vst v36;
	v48 =	vld.idx.msk [tilespmem:v18+s26+$0x0], $0xffff;
	v46 =	vmul.bf16 v58, v16;
	v51 =	vunpack.i.u.bf16.f32 v34  }
0x18b: {  	v37 =	vld.idx.msk [tilespmem:v11+s29+$0x0], $0xffff;
	[tilespmem:s13+$0x3D0] =	vst v35;
	v34 =	vunpack.i.l.bf16.f32 v34;
	v54 =	vmul.bf16 v60, v17;
	v52 =	vadd.bf16 v39, v49  }
0x18c: {  	v53 =	vadd.bf16 v50, v45;
	v34 =	vadd.f32 v34, v51;
	v55 =	vld.idx.msk [tilespmem:v23+s26+$0x0], $0xffff  }
0x18d: {  	v56 =	vld.idx.msk [tilespmem:v22+s26+$0x0], $0xffff;
	v39 =	vadd.bf16 v54, v46;
	v57 =	vunpack.i.u.bf16.f32 v52;
	v35 =	vunpack.i.l.bf16.f32 v52  }
0x18e: {  	v61 =	vld.idx.msk [tilespmem:v5+s29+$0x0], $0xffff;
	v40 =	vmul.bf16 v63, v20;
	[tilespmem:s13+$0x3E0] =	vst v34;
	v34 =	vadd.f32 v35, v57  }
0x18f: {  	v36 =	vmul.bf16 v48, v21;
	v58 =	vld.idx.msk [tilespmem:v26+s26+$0x0], $0xffff;
	v46 =	vunpack.i.u.bf16.f32 v39;
	v39 =	vunpack.i.l.bf16.f32 v39  }
0x190: {  	v59 =	vunpack.i.u.bf16.f32 v53;
	v38 =	vunpack.i.l.bf16.f32 v53;
	v60 =	vld.idx.msk [tilespmem:v27+s26+$0x0], $0xffff;
	v62 =	vadd.f32 v39, v46;
	[tilespmem:s13+$0x3F0] =	vst v34  }
0x191: {  	v54 =	vmul.bf16 v43, v12;
	v36 =	vadd.bf16 v36, v40;
	v35 =	vadd.f32 v38, v59;
	v48 =	vld.idx.msk [tilespmem:v28+s26+$0x0], $0xffff  }
0x192: {  	v50 =	vmul.bf16 v55, v24;
	v51 =	vmul.bf16 v56, v25;
	[tilespmem:s13+$0x1030] =	vst v62;
	v52 =	vld.idx.msk [tilespmem:v29+s26+$0x0], $0xffff  }
0x193: {  	v55 =	vmul.bf16 v44, v10;
	v63 =	vunpack.i.u.bf16.f32 v36;
	v49 =	vunpack.i.l.bf16.f32 v36;
	[tilespmem:s13+$0x1100] =	vst v35;
	v56 =	vld.idx.msk [tilespmem:v15+s28+$0x0], $0xffff  }
0x194: {  	v53 =	vadd.f32 v49, v63;
	v36 =	vadd.bf16 v51, v50;
	v57 =	vmul.bf16 v58, v31;
	v58 =	vld.idx.msk [tilespmem:v14+s28+$0x0], $0xffff  }
0x195: {  	v37 =	vmul.bf16 v37, v6;
	v38 =	vmul.bf16 v61, v4;
	v35 =	vadd.bf16 v55, v54;
	v13 =	vld.idx.msk [tilespmem:v13+s30+$0x0], $0xffff  }
0x196: {  	v40 =	vmul.bf16 v60, v30;
	v8 =	vld.idx.msk [tilespmem:v8+s30+$0x0], $0xffff;
	[tilespmem:s13+$0x1040] =	vst v53;
	v59 =	vunpack.i.u.bf16.f32 v36;
	v36 =	vunpack.i.l.bf16.f32 v36  }
0x197: {  	v37 =	vadd.bf16 v38, v37;
	v60 =	vld.idx.msk [tilespmem:v19+s28+$0x0], $0xffff;
	v34 =	vadd.f32 v36, v59  }
0x198: {  	v49 =	vunpack.i.u.bf16.f32 v35;
	v35 =	vunpack.i.l.bf16.f32 v35;
	v40 =	vadd.bf16 v40, v57;
	v62 =	vld.idx.msk [tilespmem:v18+s28+$0x0], $0xffff  }
0x199: {  	v35 =	vadd.f32 v35, v49;
	[tilespmem:s13+$0x1050] =	vst v34;
	v61 =	vmul.bf16 v48, v33;
	v42 =	vmul.bf16 v52, v32  }
0x19a: {  	v53 =	vunpack.i.u.bf16.f32 v37;
	v63 =	vunpack.i.u.bf16.f32 v40;
	v40 =	vunpack.i.l.bf16.f32 v40;
	v50 =	vld.idx.msk [tilespmem:v23+s28+$0x0], $0xffff  }
0x19b: {  	v37 =	vunpack.i.l.bf16.f32 v37;
	[tilespmem:s13+$0x10A0] =	vst v35;
	v48 =	vadd.f32 v40, v63;
	v51 =	vld.idx.msk [tilespmem:v22+s28+$0x0], $0xffff;
	v36 =	vadd.bf16 v42, v61  }
0x19c: {  	v37 =	vadd.f32 v37, v53;
	v41 =	vmul.bf16 v56, v16;
	v57 =	vld.idx.msk [tilespmem:v9+s29+$0x0], $0xffff  }
0x19d: {  	v39 =	vmul.bf16 v58, v17;
	v63 =	vld.idx.msk [tilespmem:v7+s29+$0x0], $0xffff;
	[tilespmem:s13+$0x1060] =	vst v48;
	v52 =	vunpack.i.u.bf16.f32 v36;
	v36 =	vunpack.i.l.bf16.f32 v36  }
0x19e: {  	[tilespmem:s13+$0x1110] =	vst v37;
	v54 =	vld.idx.msk [tilespmem:v26+s28+$0x0], $0xffff;
	v34 =	vadd.f32 v36, v52  }
0x19f: {  	v39 =	vadd.bf16 v39, v41;
	v55 =	vmul.bf16 v60, v20;
	v38 =	vmul.bf16 v62, v21;
	v56 =	vld.idx.msk [tilespmem:v27+s28+$0x0], $0xffff  }
0x1a0: {  	v11 =	vld.idx.msk [tilespmem:v11+s30+$0x0], $0xffff;
	v2 =	vmul.bf16 v13, v2;
	v3 =	vmul.bf16 v8, v3;
	[tilespmem:s13+$0x1070] =	vst v34  }
0x1a1: {  	v58 =	vunpack.i.u.bf16.f32 v39;
	v39 =	vunpack.i.l.bf16.f32 v39;
	v35 =	vadd.bf16 v38, v55;
	v59 =	vld.idx.msk [tilespmem:v28+s28+$0x0], $0xffff  }
0x1a2: {  	v60 =	vmul.bf16 v50, v24;
	v61 =	vmul.bf16 v51, v25;
	v34 =	vadd.f32 v39, v58;
	v62 =	vld.idx.msk [tilespmem:v29+s28+$0x0], $0xffff  }
0x1a3: {  	v2 =	vadd.bf16 v3, v2;
	v3 =	vld.idx.msk [tilespmem:v5+s30+$0x0], $0xffff;
	v45 =	vunpack.i.u.bf16.f32 v35;
	v35 =	vunpack.i.l.bf16.f32 v35  }
0x1a4: {  	v37 =	vadd.bf16 v61, v60;
	v36 =	vmul.bf16 v54, v31;
	v46 =	vmul.bf16 v56, v30;
	[tilespmem:s13+$0x10B0] =	vst v34  }
0x1a5: {  	v34 =	vadd.f32 v35, v45;
	v47 =	vld.idx.msk [tilespmem:v15+s29+$0x0], $0xffff  }
0x1a6: {  	v49 =	vunpack.i.u.bf16.f32 v37;
	v37 =	vunpack.i.l.bf16.f32 v37;
	v48 =	vld.idx.msk [tilespmem:v14+s29+$0x0], $0xffff;
	v36 =	vadd.bf16 v46, v36  }
0x1a7: {  	v50 =	vadd.f32 v37, v49;
	[tilespmem:s13+$0x10C0] =	vst v34;
	v51 =	vmul.bf16 v59, v33;
	v52 =	vmul.bf16 v62, v32  }
0x1a8: {  	v41 =	vmul.bf16 v57, v12;
	v54 =	vld.idx.msk [tilespmem:v19+s29+$0x0], $0xffff  }
0x1a9: {  	v55 =	vunpack.i.u.bf16.f32 v36;
	v36 =	vunpack.i.l.bf16.f32 v36;
	[tilespmem:s13+$0x10D0] =	vst v50;
	v57 =	vld.idx.msk [tilespmem:v18+s29+$0x0], $0xffff;
	v37 =	vadd.bf16 v52, v51  }
0x1aa: {  	v53 =	vmul.bf16 v63, v10;
	v56 =	vadd.f32 v36, v55;
	v60 =	vld.idx.msk [tilespmem:v23+s29+$0x0], $0xffff  }
0x1ab: {  	v61 =	vld.idx.msk [tilespmem:v22+s29+$0x0], $0xffff;
	v62 =	vunpack.i.u.bf16.f32 v37;
	v37 =	vunpack.i.l.bf16.f32 v37  }
0x1ac: {  	v6 =	vmul.bf16 v11, v6;
	v58 =	vadd.bf16 v53, v41;
	[tilespmem:s13+$0x10E0] =	vst v56;
	v44 =	vadd.f32 v37, v62  }
0x1ad: {  	v59 =	vmul.bf16 v47, v16;
	v35 =	vmul.bf16 v48, v17;
	v63 =	vld.idx.msk [tilespmem:v26+s29+$0x0], $0xffff  }
0x1ae: {  	v3 =	vmul.bf16 v3, v4;
	v45 =	vunpack.i.u.bf16.f32 v58;
	v46 =	vunpack.i.l.bf16.f32 v58;
	v47 =	vld.idx.msk [tilespmem:v27+s29+$0x0], $0xffff;
	[tilespmem:s13+$0x10F0] =	vst v44  }
0x1af: {  	v35 =	vadd.bf16 v35, v59;
	v50 =	vmul.bf16 v54, v20;
	v36 =	vmul.bf16 v57, v21;
	v51 =	vld.idx.msk [tilespmem:v28+s29+$0x0], $0xffff  }
0x1b0: {  	v48 =	vadd.f32 v46, v45;
	v52 =	vmul.bf16 v60, v24;
	v53 =	vmul.bf16 v61, v25;
	v54 =	vld.idx.msk [tilespmem:v29+s29+$0x0], $0xffff  }
0x1b1: {  	v49 =	vunpack.i.u.bf16.f32 v35;
	v35 =	vunpack.i.l.bf16.f32 v35;
	v56 =	vadd.bf16 v36, v50  }
0x1b2: {  	[tilespmem:s13+$0x1120] =	vst v48;
	v55 =	vadd.f32 v35, v49;
	v57 =	vadd.bf16 v53, v52;
	v8 =	vmul.bf16 v63, v31  }
0x1b3: {  	v59 =	vld.idx.msk [tilespmem:v9+s30+$0x0], $0xffff;
	v58 =	vmul.bf16 v47, v30;
	v60 =	vunpack.i.u.bf16.f32 v56;
	v13 =	vunpack.i.l.bf16.f32 v56  }
0x1b4: {  	v7 =	vld.idx.msk [tilespmem:v7+s30+$0x0], $0xffff;
	[tilespmem:s13+$0x1130] =	vst v55;
	v9 =	vadd.f32 v13, v60;
	v61 =	vunpack.i.u.bf16.f32 v57;
	v5 =	vunpack.i.l.bf16.f32 v57  }
0x1b5: {  	v8 =	vadd.bf16 v58, v8;
	v62 =	vld.idx.msk [tilespmem:v15+s30+$0x0], $0xffff;
	v63 =	vmul.bf16 v51, v33;
	v36 =	vmul.bf16 v54, v32  }
0x1b6: {  	v3 =	vadd.bf16 v3, v6;
	v5 =	vadd.f32 v5, v61;
	v37 =	vld.idx.msk [tilespmem:v14+s30+$0x0], $0xffff;
	[tilespmem:s13+$0x1140] =	vst v9  }
0x1b7: {  	v9 =	vld.idx.msk [tilespmem:v19+s30+$0x0], $0xffff;
	v39 =	vunpack.i.u.bf16.f32 v8;
	v8 =	vunpack.i.l.bf16.f32 v8;
	v38 =	vadd.bf16 v36, v63  }
0x1b8: {  	v4 =	vmul.bf16 v59, v12;
	[tilespmem:s13+$0x1150] =	vst v5;
	v41 =	vld.idx.msk [tilespmem:v18+s30+$0x0], $0xffff;
	v40 =	vadd.f32 v8, v39  }
0x1b9: {  	v7 =	vmul.bf16 v7, v10;
	v42 =	vld.idx.msk [tilespmem:v23+s30+$0x0], $0xffff;
	v43 =	vunpack.i.u.bf16.f32 v38;
	v11 =	vunpack.i.l.bf16.f32 v38  }
0x1ba: {  	v45 =	vunpack.i.u.bf16.f32 v2;
	v2 =	vunpack.i.l.bf16.f32 v2;
	v46 =	vld.idx.msk [tilespmem:v22+s30+$0x0], $0xffff;
	[tilespmem:s13+$0x1160] =	vst v40;
	v44 =	vadd.f32 v11, v43  }
0x1bb: {  	v2 =	vadd.f32 v2, v45;
	v49 =	vunpack.i.u.bf16.f32 v3;
	v4 =	vadd.bf16 v7, v4;
	v48 =	vld.idx.msk [tilespmem:v26+s30+$0x0], $0xffff  }
0x1bc: {  	v3 =	vunpack.i.l.bf16.f32 v3;
	v47 =	vmul.bf16 v62, v16;
	v6 =	vmul.bf16 v37, v17;
	v50 =	vld.idx.msk [tilespmem:v27+s30+$0x0], $0xffff;
	[tilespmem:s13+$0x1170] =	vst v44  }
0x1bd: {  	v3 =	vadd.f32 v3, v49;
	v53 =	vunpack.i.u.bf16.f32 v4;
	v4 =	vunpack.i.l.bf16.f32 v4;
	v52 =	vld.idx.msk [tilespmem:v28+s30+$0x0], $0xffff  }
0x1be: {  	v51 =	vadd.bf16 v6, v47;
	v9 =	vmul.bf16 v9, v20;
	v8 =	vmul.bf16 v41, v21;
	v54 =	vld.idx.msk [tilespmem:v29+s30+$0x0], $0xffff  }
0x1bf: {  	v4 =	vadd.f32 v4, v53;
	v10 =	vmul.bf16 v42, v24;
	v55 =	vmul.bf16 v46, v25  }
0x1c0: {  	v56 =	vunpack.i.u.bf16.f32 v51;
	v5 =	vunpack.i.l.bf16.f32 v51;
	v8 =	vadd.bf16 v8, v9  }
0x1c1: {  	v5 =	vadd.f32 v5, v56;
	v10 =	vadd.bf16 v55, v10  }
0x1c2: {  	v57 =	vmul.bf16 v48, v31;
	v7 =	vmul.bf16 v50, v30;
	v58 =	vunpack.i.u.bf16.f32 v8  }
0x1c3: {  	[tilespmem:s13+$0x1180] =	vst v2;
	v8 =	vunpack.i.l.bf16.f32 v8;
	v6 =	vmul.bf16 v52, v33;
	v2 =	vmul.bf16 v54, v32  }
0x1c4: {  	s10 =	sadd.s32 $0x8, s10;
	[tilespmem:s13+$0x1190] =	vst v3;
	v3 =	vadd.f32 v8, v58;
	v7 =	vadd.bf16 v7, v57  }
0x1c5: {  	p1 =	slt.u32 s10, $0x18;
	[tilespmem:s13+$0x11A0] =	vst v4;
	v59 =	vunpack.i.u.bf16.f32 v10;
	v60 =	vunpack.i.l.bf16.f32 v10;
	v2 =	vadd.bf16 v2, v6  }
.Ltmp2:
0x1c6: {  	[tilespmem:s13+$0x11B0] =	vst v5;
	v4 =	vadd.f32 v60, v59;
	v61 =	vunpack.i.u.bf16.f32 v7;
	v62 =	vunpack.i.l.bf16.f32 v7;
	(pc) =	sbr.rel @p1 .LBB2_7-.Ltmp2, $4  }
0x1c7: {  	[tilespmem:s13+$0x11C0] =	vst v3;
	v3 =	vadd.f32 v62, v61;
	v63 =	vunpack.i.u.bf16.f32 v2;
	v2 =	vunpack.i.l.bf16.f32 v2  }
0x1c8: {  	[tilespmem:s13+$0x11D0] =	vst v4;
	v2 =	vadd.f32 v2, v63  }
0x1c9: {  	s15 =	sadd.s32 $0x400, s15;
	[tilespmem:s13+$0x11E0] =	vst v3  }
0x1ca: {  	s17 =	sadd.s32 $0x80, s17;
	s12 =	sadd.s32 $0x80, s12;
	[tilespmem:s13+$0x11F0] =	vst v2;
	s13 =	sadd.s32 $0x400, s13  }
0x1cb: {  	s2 =	rddreg [dreg:$0xc]  }
0x1cc: {  	s2 =	sshll.u32 s2, $0x9  }
0x1cd: {  	s3 =	rddreg [dreg:$0x9];
	s2 =	sand.u32 $0x3F000, s2  }
0x1ce: {  	s2 =	sor.u32 s3, s2  }
0x1cf: {  	s2 =	sor.u32 s8, s2  }
0x1d0: {  	s15 =	rddreg [dreg:$0x4];
	s2 =	sshrl.u32 s2, $0x3  }
0x1d1: {  	s2 =	sadd.s32 s15, s2  }
0x1d2: {  	[hbm4b:s2+s14] =	stream.strided.scatter [tilespmem:s7], [sflag:$0x1], $0x400, s31, s14, $0x38;
	[tilespmem:$0x18A00] =	vst v63  }
0x1d3: {  	s17 =	sadd.s32 $0x14E00, s16;
	s4 =	sadd.s32 $0x80, s2  }
0x1d4: {  	[hbm4b:s4+s14] =	stream.strided.scatter [tilespmem:s17], [sflag:$0x1], $0x400, s31, s14, $0x38;
	[tilespmem:$0x18A00] =	vst v63  }
0x1d5: {  	s6 =	sadd.s32 $0x15200, s16;
	s7 =	sadd.s32 $0x100, s2  }
0x1d6: {  	[hbm4b:s7+s14] =	stream.strided.scatter [tilespmem:s6], [sflag:$0x1], $0x400, s31, s14, $0x38;
	[tilespmem:$0x18A00] =	vst v63  }
0x1d7: {  	s8 =	sadd.s32 $0x15600, s16;
	s9 =	sadd.s32 $0x180, s2  }
0x1d8: {  	[hbm4b:s9+s14] =	stream.strided.scatter [tilespmem:s8], [sflag:$0x1], $0x400, s31, s14, $0x38;
	[tilespmem:$0x18A00] =	vst v63  }
0x1d9: {  	s10 =	sadd.s32 $0x15A00, s16;
	s1 =	sadd.s32 $0x1, s1;
	s2 =	sadd.s32 $0x40000, s2  }
0x1da: {  	[hbm4b:s2+s14] =	stream.strided.scatter [tilespmem:s10], [sflag:$0x1], $0x200, s31, s14, $0x38;
	[tilespmem:$0x18A00] =	vst v63  }
0x1db: {  	s11 =	sadd.s32 $0x15E00, s16;
	p1 =	sne.s32 s1, $0x40;
	s12 =	sadd.s32 $0x80, s2  }
0x1dc: {  	[hbm4b:s12+s14] =	stream.strided.scatter [tilespmem:s11], [sflag:$0x1], $0x200, s31, s14, $0x38;
	[tilespmem:$0x18A00] =	vst v63  }
.Ltmp3:
0x1dd: {  	s13 =	sadd.s32 $0x16200, s16;
	(pc) =	sbr.rel @p1 .LBB2_4-.Ltmp3, $4  }
0x1de: {  	p0 =	por !p0, !p0;
	s0 =	sadd.s32 $0x200, s0;
	s15 =	sadd.s32 $0x100, s2  }
0x1df: {  	[hbm4b:s15+s14] =	stream.strided.scatter [tilespmem:s13], [sflag:$0x1], $0x200, s31, s14, $0x38;
	[tilespmem:$0x18A00] =	vst v63  }
0x1e0: {  	s5 =	sadd.s32 $0x1, s5;
	s17 =	sadd.s32 $0x16600, s16;
	s2 =	sadd.s32 $0x180, s2  }
0x1e1: {  	[hbm4b:s2+s14] =	stream.strided.scatter [tilespmem:s17], [sflag:$0x1], $0x200, s31, s14, $0x38;
	[tilespmem:$0x18A00] =	vst v63  }
0x1e2: {  	s1 =	simm.s32 $0x1  }
0x1e3: {  	_ =	swait.ge [sflag:s1], $0x1800  }
0x1e4: {  	[sflag:s1] =	ssyncset.done $0x0  }
0x1e5: {  	[sflag:s1] =	ssyncadd.s32 $0xFFFFE800  }
0x1e6: {  	_ =	swait.ge [sflag:s1], $0x1800  }
0x1e7: {  	s2 =	rddreg [dreg:$0xb]  }
0x1e8: {  	s0 =	rddreg [dreg:$0xa];
	s2 =	sadd.s32 $0x1, s2  }
0x1e9: {  	p0 =	sne.s32 s2, s0  }
.Ltmp4:
0x1ea: {  	_ = 	snop;
	(pc) =	sbr.rel @p0 .LBB2_1-.Ltmp4, $3  }
0x1eb: {  	_ =	sdelay $0x1  }
0x1ec: {  	[sflag:s1] =	ssyncset.done $0x0  }
0x1ed: {  	[sflag:s1] =	ssyncadd.s32 $0xFFFFE800  }
0x1ee: {  	_ =	sfence.sel $0x180000  }
0x1ef: {  	[bflag:$0x0] =	sbarrier.arrive $0xFFFF  }
0x1f0: {  	_ =	strace $0x90000047  }
0x1f1: {  	s0 =	stileid.u32;
	[bflag:$0x2] =	sbarrier.arrive $0xFFFF  }
0x1f2: {  	p0 =	sne.s32 s0, $0x0;
	s0 =	rddreg [dreg:$0x5]  }
0x1f3: {  	s0 =	sadd.s32 @!p0 $0x100000, s0  }
0x1f4: {  	[sflag:s0] =	ssyncadd.tile.s32 @!p0 $0x1;
	_ =	shalt  }
.Lfunc_end2:
_tile_overlayer_lowered:
.L_overlay_start_2:
0x1f5: {  	(tag) =	ssettag $0x2  }
0x1f6: {  	s0 =	rddreg [dreg:$0x0];
	s2 =	stileid.u32  }
0x1f7: {  	s1 =	rddreg [dreg:$0x1];
	p0 =	sne.s32 s2, $0x0  }
0x1f8: {  	s3 =	rddreg [dreg:$0x2];
	[bflag:$0x3] =	sbarrier.arrive $0xFFFF;
	s2 =	simm.s32 @!p0 $0x1C02  }
0x1f9: {  	[timem:s3], [sflag:s2] =	dma.local @!p0 [hbm:s0], s1  }
0x1fa: {  	s0 =	simm.s32 @!p0 $0x2  }
0x1fb: {  	_ =	swait.ge @!p0 [sflag:s0], s1  }
0x1fc: {  	s1 =	ssub.s32 @!p0 $0x0, s1;
	[sflag:s0] =	ssyncset.done @!p0 $0x0  }
0x1fd: {  	[sflag:s0] =	ssyncadd.s32 @!p0 s1  }
0x1fe: {  	[bflag:$0x3] =	sbarrier.arrive $0xFFFF  }
0x1ff: {  	_ =	shalt  }

</sc_bundles>
